<compile_context>
chip_gen: v7x
topology: tpu7x:2x2x1
jax: 0.10.2.dev20260603
libtpu: 0.0.44.dev20260713+nightly
codegen_flags: <defaults>
</compile_context>

<pallas_src>
import functools

import jax
import jax.numpy as jnp
from jax import lax
from jax.experimental import pallas as pl
from jax.experimental.pallas import tpu as pltpu
from jax.experimental.pallas import tpu_sc as plsc

N = 10000
E = 320000
D = 128
H = 256
C = 2

NC = 2
NS = 16
NW = NC * NS
LANES = 16

EPW = E // NW
CH = 80
NCH = EPW // CH
NP = 10240
RPT = NP // NS
ZBR = 128


def _sc_agg1_body(x_hbm, zrows_hbm, src_hbm, dst_hbm, msum_out, cnt_out,
                  src_v, dst_v, buf0, buf1, cnt_v, zrow_v, sem0, sem1, acc_s):
    cid = lax.axis_index("c")
    sid = lax.axis_index("s")

    zeros16 = jnp.zeros((LANES,), jnp.float32)
    ones16 = jnp.ones((LANES,), jnp.float32)

    pltpu.sync_copy(zrows_hbm, zrow_v)

    def _zcnt(i, c):
        cnt_v[pl.ds(i * LANES, LANES)] = zeros16
        return c
    lax.fori_loop(0, NP // LANES, _zcnt, 0)

    def _zacc(k, c):
        pltpu.sync_copy(zrow_v, acc_s.at[pl.ds(sid * RPT + k * ZBR, ZBR)])
        return c
    lax.fori_loop(0, RPT // ZBR, _zacc, 0)

    plsc.subcore_barrier()

    pltpu.sync_copy(src_hbm.at[cid].at[sid], src_v)
    pltpu.sync_copy(dst_hbm.at[cid].at[sid], dst_v)

    def _counts(j, c):
        def _cstep(k, c2):
            idx = dst_v[j, pl.ds(k * LANES, LANES)]
            plsc.addupdate_scatter(cnt_v, [idx], ones16)
            return c2
        lax.fori_loop(0, CH // LANES, _cstep, 0)
        return c

    pltpu.async_copy(x_hbm.at[src_v.at[0]], buf0, sem0)

    def _pair(t, c):
        j = 2 * t
        pltpu.make_async_copy(x_hbm.at[src_v.at[j]], buf0, sem0).wait()
        pltpu.async_copy(x_hbm.at[src_v.at[j + 1]], buf1, sem1)
        pltpu.sync_copy(buf0, acc_s.at[dst_v.at[j]], add=True)
        _counts(j, 0)
        pltpu.make_async_copy(x_hbm.at[src_v.at[j + 1]], buf1, sem1).wait()
        pltpu.async_copy(x_hbm.at[src_v.at[j + 2]], buf0, sem0)
        pltpu.sync_copy(buf1, acc_s.at[dst_v.at[j + 1]], add=True)
        _counts(j + 1, 0)
        return c
    lax.fori_loop(0, (NCH - 1) // 2, _pair, 0)

    pltpu.make_async_copy(x_hbm.at[src_v.at[NCH - 1]], buf0, sem0).wait()
    pltpu.sync_copy(buf0, acc_s.at[dst_v.at[NCH - 1]], add=True)
    _counts(NCH - 1, 0)

    plsc.subcore_barrier()

    pltpu.sync_copy(acc_s.at[pl.ds(sid * RPT, RPT)],
                    msum_out.at[cid].at[pl.ds(sid * RPT, RPT)])
    pltpu.sync_copy(cnt_v, cnt_out.at[pl.ds((cid * NS + sid) * NP, NP)])


def _sc_agg2_body(p0_hbm, p1_hbm, src_hbm, dst_hbm, out,
                  src_v, dst_v, p0_v, p1_v, a0_v, a1_v):
    cid = lax.axis_index("c")
    sid = lax.axis_index("s")
    wid = sid * NC + cid

    zeros16 = jnp.zeros((LANES,), jnp.float32)

    def _zacc(i, c):
        a0_v[pl.ds(i * LANES, LANES)] = zeros16
        a1_v[pl.ds(i * LANES, LANES)] = zeros16
        return c
    lax.fori_loop(0, N // LANES, _zacc, 0)

    pltpu.sync_copy(src_hbm.at[pl.ds(wid * EPW, EPW)], src_v)
    pltpu.sync_copy(dst_hbm.at[pl.ds(wid * EPW, EPW)], dst_v)
    pltpu.sync_copy(p0_hbm, p0_v)
    pltpu.sync_copy(p1_hbm, p1_v)

    def _step(t, c):
        s_idx = src_v[pl.ds(t * LANES, LANES)]
        d_idx = dst_v[pl.ds(t * LANES, LANES)]
        v0 = plsc.load_gather(p0_v, [s_idx])
        v1 = plsc.load_gather(p1_v, [s_idx])
        plsc.addupdate_scatter(a0_v, [d_idx], v0)
        plsc.addupdate_scatter(a1_v, [d_idx], v1)
        return c
    lax.fori_loop(0, EPW // LANES, _step, 0)

    pltpu.sync_copy(a0_v, out.at[pl.ds(wid * N, N)])
    pltpu.sync_copy(a1_v, out.at[pl.ds((NW + wid) * N, N)])


def _tc1_body(x_ref, ms_ref, cnt_ref, w1l_ref, b1_ref, w1r_ref, w2l_ref,
              w2r_ref, pt_ref):
    cnt = jnp.sum(cnt_ref[...], axis=0)[:N]
    inv = jnp.where(cnt > 0.0, 1.0 / jnp.maximum(cnt, 1.0), 0.0)
    ms = (ms_ref[0][:N].astype(jnp.float32) +
          ms_ref[1][:N].astype(jnp.float32))
    agg = ms * inv[:, None]
    h = lax.dot_general(agg, w1l_ref[...], (((1,), (1,)), ((), ())),
                        preferred_element_type=jnp.float32)
    h = h + b1_ref[...]
    h = h + lax.dot_general(x_ref[...].astype(jnp.float32), w1r_ref[...],
                            (((1,), (1,)), ((), ())),
                            preferred_element_type=jnp.float32)
    h = jnp.maximum(h, 0.0)
    p01 = lax.dot_general(w2l_ref[...], h, (((1,), (1,)), ((), ())),
                          preferred_element_type=jnp.float32)
    hr = lax.dot_general(w2r_ref[...], h, (((1,), (1,)), ((), ())),
                         preferred_element_type=jnp.float32)
    pt_ref[...] = jnp.concatenate(
        [p01, inv[None, :], hr, jnp.zeros((3, h.shape[0]), jnp.float32)],
        axis=0)


def _tc1(x, msum, cnt, W1_l, b1, W1_r, W2_l, W2_r):
    return pl.pallas_call(
        _tc1_body,
        out_shape=jax.ShapeDtypeStruct((8, N), jnp.float32),
    )(x, msum, cnt, W1_l, b1, W1_r, W2_l, W2_r)


def _tc2_body(m2_ref, pt_ref, b2_ref, out_ref):
    m2 = m2_ref[...]
    m0 = jnp.sum(m2[:NW], axis=0)
    m1 = jnp.sum(m2[NW:], axis=0)
    inv = pt_ref[2, :]
    z0 = m0 * inv + b2_ref[0, 0] + pt_ref[3, :]
    z1 = m1 * inv + b2_ref[0, 1] + pt_ref[4, :]
    mx = jnp.maximum(z0, z1)
    lse = mx + jnp.log(jnp.exp(z0 - mx) + jnp.exp(z1 - mx))
    out_ref[...] = jnp.concatenate([(z0 - lse)[None, :], (z1 - lse)[None, :]],
                                   axis=0)


def _tc2(m2, pt, b2):
    return pl.pallas_call(
        _tc2_body,
        out_shape=jax.ShapeDtypeStruct((C, N), jnp.float32),
    )(m2, pt, b2)


@functools.lru_cache(maxsize=1)
def _build_sc_kernels():
    mesh = plsc.VectorSubcoreMesh(
        core_axis_name="c", subcore_axis_name="s",
        num_cores=NC, num_subcores=NS)
    params = pltpu.CompilerParams(
        use_tc_tiling_on_sc=False, needs_layout_passes=False)
    sc_agg1 = pl.kernel(
        _sc_agg1_body,
        out_type=(
            jax.ShapeDtypeStruct((NC, NP, D), jnp.bfloat16),
            jax.ShapeDtypeStruct((NC * NS * NP,), jnp.float32),
        ),
        mesh=mesh,
        scratch_types=(
            pltpu.VMEM((NCH, CH), jnp.int32),
            pltpu.VMEM((NCH, CH), jnp.int32),
            pltpu.VMEM((CH, D), jnp.bfloat16),
            pltpu.VMEM((CH, D), jnp.bfloat16),
            pltpu.VMEM((NP,), jnp.float32),
            pltpu.VMEM((ZBR, D), jnp.bfloat16),
            pltpu.SemaphoreType.DMA,
            pltpu.SemaphoreType.DMA,
            pltpu.VMEM_SHARED((NP, D), jnp.bfloat16),
        ),
        compiler_params=params,
    )
    sc_agg2 = pl.kernel(
        _sc_agg2_body,
        out_type=jax.ShapeDtypeStruct((2 * NW * N,), jnp.float32),
        mesh=mesh,
        scratch_types=(
            pltpu.VMEM((EPW,), jnp.int32),
            pltpu.VMEM((EPW,), jnp.int32),
            pltpu.VMEM((N,), jnp.float32),
            pltpu.VMEM((N,), jnp.float32),
            pltpu.VMEM((N,), jnp.float32),
            pltpu.VMEM((N,), jnp.float32),
        ),
        compiler_params=params,
    )
    return sc_agg1, sc_agg2


def kernel(x, edge_index, W1_l, b1, W1_r, W2_l, b2, W2_r):
    sc_agg1, sc_agg2 = _build_sc_kernels()
    xbf = x.astype(jnp.bfloat16)
    zrows = jnp.zeros((ZBR, D), jnp.bfloat16)
    src4 = edge_index[0].reshape(NC, NS, NCH, CH)
    dst4 = edge_index[1].reshape(NC, NS, NCH, CH)
    msum1p, cntf = sc_agg1(xbf, zrows, src4, dst4)
    cnt = cntf.reshape(NC * NS, NP)
    pt = _tc1(xbf, msum1p, cnt, W1_l, b1.reshape(1, H), W1_r, W2_l, W2_r)
    m2f = sc_agg2(pt[0], pt[1], edge_index[0], edge_index[1])
    m2 = m2f.reshape(2 * NW, N)
    outT = _tc2(m2, pt, b2.reshape(1, C))
    return outT.T

# --- scband reference (transcript-rebuilt; emitter-appended) ---
"""Pipeline reference for scband-graph-sage-1108101562848 (READ-ONLY COPY).

The authoritative reference and input builder live on the scoring server;
editing this copy changes nothing except your own understanding.
"""

import jax, jax.numpy as jnp
import numpy as np

N = 10000
E = 320000
D = 128
H = 256
C = 2


def _mean_agg(x, src, dst, num_nodes):
    # scatter-add messages from src to dst, then divide by in-degree (PyG 'mean' aggr)
    msum = jax.ops.segment_sum(x[src], dst, num_segments=num_nodes)
    cnt = jax.ops.segment_sum(jnp.ones((src.shape[0], 1), x.dtype), dst, num_segments=num_nodes)
    return jnp.where(cnt > 0, msum / jnp.maximum(cnt, 1.0), 0.0)


def setup_inputs(seed: int = 0) -> dict:
    key = jax.random.key(seed)
    ks = jax.random.split(key, 8)
    x = jax.random.normal(ks[0], (N, D), dtype=jnp.float32)
    edge_index = jax.random.randint(ks[1], (2, E), 0, N, dtype=jnp.int32)
    # SAGEConv params: lin_l (applied to aggregated neighbors, with bias),
    # lin_r (root/self weight, no bias) -- matching torch_geometric defaults.
    W1_l = jax.random.normal(ks[2], (H, D), dtype=jnp.float32) * 0.05
    b1 = jnp.zeros((H,), dtype=jnp.float32)
    W1_r = jax.random.normal(ks[3], (H, D), dtype=jnp.float32) * 0.05
    W2_l = jax.random.normal(ks[4], (C, H), dtype=jnp.float32) * 0.05
    b2 = jnp.zeros((C,), dtype=jnp.float32)
    W2_r = jax.random.normal(ks[5], (C, H), dtype=jnp.float32) * 0.05
    return {"x": x, "edge_index": edge_index, "W1_l": W1_l, "b1": b1, "W1_r": W1_r,
            "W2_l": W2_l, "b2": b2, "W2_r": W2_r}


def reference(x, edge_index, W1_l, b1, W1_r, W2_l, b2, W2_r):
    src = edge_index[0]
    dst = edge_index[1]
    # conv1: SAGEConv(in=D, out=H), mean aggregation
    agg1 = _mean_agg(x, src, dst, N)
    h = agg1 @ W1_l.T + b1 + x @ W1_r.T
    h = jax.nn.relu(h)
    # dropout p=0.3 is identity in eval mode (self.training == False)
    # conv2: SAGEConv(in=H, out=C)
    agg2 = _mean_agg(h, src, dst, N)
    out = agg2 @ W2_l.T + b2 + h @ W2_r.T
    return jax.nn.log_softmax(out, axis=1)

if __name__ == "__main__":
    import jax
    _d = setup_inputs()
    print(jax.jit(kernel)(*tuple(_d.values())))

</pallas_src>

<mosaic_0001>
#map = affine_map<(d0, d1) -> (0, 0)>
#map1 = affine_map<(d0, d1) -> (0, 0, 0, 0)>
#map2 = affine_map<(d0, d1) -> (0, 0, 0)>
#map3 = affine_map<(d0, d1) -> (0)>
module attributes {stable_mosaic.version = 14 : i64} {
  func.func @_sc_agg1_body(%arg0: i32, %arg1: i32, %arg2: memref<10000x128xbf16, #tpu.memory_space<hbm>>, %arg3: memref<128x128xbf16, #tpu.memory_space<hbm>>, %arg4: memref<2x16x125x80xi32, #tpu.memory_space<hbm>>, %arg5: memref<2x16x125x80xi32, #tpu.memory_space<hbm>>, %arg6: memref<2x10240x128xbf16, #tpu.memory_space<hbm>>, %arg7: memref<327680xf32, #tpu.memory_space<hbm>>, %arg8: memref<125x80xi32, #tpu.memory_space<vmem>>, %arg9: memref<125x80xi32, #tpu.memory_space<vmem>>, %arg10: memref<80x128xbf16, #tpu.memory_space<vmem>>, %arg11: memref<80x128xbf16, #tpu.memory_space<vmem>>, %arg12: memref<10240xf32, #tpu.memory_space<vmem>>, %arg13: memref<128x128xbf16, #tpu.memory_space<vmem>>, %arg14: memref<!tpu.dma_semaphore, #tpu.memory_space<semaphore_mem>>, %arg15: memref<!tpu.dma_semaphore, #tpu.memory_space<semaphore_mem>>, %arg16: memref<10240x128xbf16, #tpu.memory_space<vmem_shared>>) attributes {dimension_semantics = [#tpu.dimension_semantics<core_parallel>, #tpu.dimension_semantics<subcore_parallel>], iteration_bounds = array<i64: 2, 16>, scalar_prefetch = 0 : i64, scratch_operands = 9 : i64, tpu.core_type = #tpu.core_type<sc_vector_subcore>, window_params = [{transform_indices = #map}, {transform_indices = #map}, {transform_indices = #map1}, {transform_indices = #map1}, {transform_indices = #map2}, {transform_indices = #map3}]} {
    %broadcast_in_dim3A = arith.constant 0.000000e+00 : f32
    %broadcast_in_dim3A_0 = vector.broadcast %broadcast_in_dim3A : f32 to vector<16xf32>
    %broadcast_in_dim3A_1 = arith.constant 1.000000e+00 : f32
    %broadcast_in_dim3A_2 = vector.broadcast %broadcast_in_dim3A_1 : f32 to vector<16xf32>
    "tpu.region"() ({
      %run_scoped3A_46 = tpu.sem_alloc : memref<!tpu.dma_semaphore, #tpu.memory_space<semaphore_mem>>
      tpu.enqueue_dma source(%arg3 : memref<128x128xbf16, #tpu.memory_space<hbm>>) target(%arg13 : memref<128x128xbf16, #tpu.memory_space<vmem>>) target_semaphore(%run_scoped3A_46 : memref<!tpu.dma_semaphore, #tpu.memory_space<semaphore_mem>>)
      tpu.wait_dma2 semaphore(%run_scoped3A_46 : memref<!tpu.dma_semaphore, #tpu.memory_space<semaphore_mem>>) src(%arg3 : memref<128x128xbf16, #tpu.memory_space<hbm>>) dst(%arg13 : memref<128x128xbf16, #tpu.memory_space<vmem>>)
      tpu.yield
    }) : () -> ()
    %scan3A = arith.constant 0 : i32
    %scan3A_3 = arith.constant 0 : i32
    %scan3A_4 = arith.constant 640 : i32
    %scan3A_5 = arith.addi %scan3A_3, %scan3A_4 : i32
    %scan3A_6 = arith.constant 1 : i32
    scf.for %scan3A_46 = %scan3A_3 to %scan3A_5 step %scan3A_6  : i32 {
      %mul3A_47 = arith.constant 16 : i32
      %mul3A_48 = arith.muli %scan3A_46, %mul3A_47 : i32
      %swap3A = arith.index_cast %mul3A_48 : i32 to index
      %swap3A_49 = tpu.vector_load %arg12[%swap3A] {strides = array<i32>} : memref<10240xf32, #tpu.memory_space<vmem>>, vector<16xf32>,
      tpu.vector_store %arg12[%swap3A], %broadcast_in_dim3A_0 {strides = array<i32>} : memref<10240xf32, #tpu.memory_space<vmem>>, vector<16xf32>,
    }
    %scan3A_7 = arith.constant 640 : i32
    %scan3A_8 = arith.constant 0 : i32
    %scan3A_9 = arith.constant 0 : i32
    %scan3A_10 = arith.constant 5 : i32
    %scan3A_11 = arith.addi %scan3A_9, %scan3A_10 : i32
    %scan3A_12 = arith.constant 1 : i32
    scf.for %scan3A_46 = %scan3A_9 to %scan3A_11 step %scan3A_12  : i32 {
      %mul3A_47 = arith.constant 640 : i32
      %mul3A_48 = arith.muli %arg1, %mul3A_47 : i32
      %mul3A_49 = arith.constant 128 : i32
      %mul3A_50 = arith.muli %scan3A_46, %mul3A_49 : i32
      %add3A_51 = arith.addi %mul3A_48, %mul3A_50 : i32
      "tpu.region"() ({
        %run_scoped3A_52 = tpu.sem_alloc : memref<!tpu.dma_semaphore, #tpu.memory_space<semaphore_mem>>
        %dma_start3A_53 = arith.constant 0 : i32
        %dma_start3A_54 = tpu.memref_slice %arg16[%add3A_51, %dma_start3A_53] : memref<10240x128xbf16, #tpu.memory_space<vmem_shared>> -> memref<128x128xbf16, #tpu.memory_space<vmem_shared>>
        %dma_start3A_55 = arith.constant 0 : i32
        %dma_start3A_56 = tpu.memref_slice %arg16[%add3A_51, %dma_start3A_55] : memref<10240x128xbf16, #tpu.memory_space<vmem_shared>> -> memref<128x128xbf16, #tpu.memory_space<vmem_shared>>
        tpu.enqueue_dma source(%arg13 : memref<128x128xbf16, #tpu.memory_space<vmem>>) target(%dma_start3A_56 : memref<128x128xbf16, #tpu.memory_space<vmem_shared>>) target_semaphore(%run_scoped3A_52 : memref<!tpu.dma_semaphore, #tpu.memory_space<semaphore_mem>>)
        %dma_wait3A_57 = arith.constant 0 : i32
        %dma_wait3A_58 = tpu.memref_slice %arg16[%add3A_51, %dma_wait3A_57] : memref<10240x128xbf16, #tpu.memory_space<vmem_shared>> -> memref<128x128xbf16, #tpu.memory_space<vmem_shared>>
        %dma_wait3A_59 = arith.constant 0 : i32
        %dma_wait3A_60 = tpu.memref_slice %arg16[%add3A_51, %dma_wait3A_59] : memref<10240x128xbf16, #tpu.memory_space<vmem_shared>> -> memref<128x128xbf16, #tpu.memory_space<vmem_shared>>
        tpu.wait_dma2 semaphore(%run_scoped3A_52 : memref<!tpu.dma_semaphore, #tpu.memory_space<semaphore_mem>>) src(%arg13 : memref<128x128xbf16, #tpu.memory_space<vmem>>) dst(%dma_wait3A_60 : memref<128x128xbf16, #tpu.memory_space<vmem_shared>>)
        tpu.yield
      }) : () -> ()
    }
    %scan3A_13 = arith.constant 5 : i32
    %barrier3A = arith.constant 0 : index
    tpu.barrier barrier_id(%barrier3A)
    "tpu.region"() ({
      %run_scoped3A_46 = tpu.sem_alloc : memref<!tpu.dma_semaphore, #tpu.memory_space<semaphore_mem>>
      %dma_start3A_47 = arith.constant 0 : i32
      %dma_start3A_48 = arith.constant 0 : i32
      %dma_start3A_49 = arith.constant 0 : i32
      %dma_start3A_50 = tpu.memref_slice %arg4[%arg0, %dma_start3A_47, %dma_start3A_48, %dma_start3A_49] : memref<2x16x125x80xi32, #tpu.memory_space<hbm>> -> memref<1x16x125x80xi32, #tpu.memory_space<hbm>>
      %dma_start3A_51 = tpu.memref_squeeze %dma_start3A_50 : memref<1x16x125x80xi32, #tpu.memory_space<hbm>> -> memref<16x125x80xi32, #tpu.memory_space<hbm>>
      %dma_start3A_52 = arith.constant 0 : i32
      %dma_start3A_53 = arith.constant 0 : i32
      %dma_start3A_54 = tpu.memref_slice %dma_start3A_51[%arg1, %dma_start3A_52, %dma_start3A_53] : memref<16x125x80xi32, #tpu.memory_space<hbm>> -> memref<1x125x80xi32, #tpu.memory_space<hbm>>
      %dma_start3A_55 = tpu.memref_squeeze %dma_start3A_54 : memref<1x125x80xi32, #tpu.memory_space<hbm>> -> memref<125x80xi32, #tpu.memory_space<hbm>>
      %dma_start3A_56 = arith.constant 0 : i32
      %dma_start3A_57 = arith.constant 0 : i32
      %dma_start3A_58 = arith.constant 0 : i32
      %dma_start3A_59 = tpu.memref_slice %arg4[%arg0, %dma_start3A_56, %dma_start3A_57, %dma_start3A_58] : memref<2x16x125x80xi32, #tpu.memory_space<hbm>> -> memref<1x16x125x80xi32, #tpu.memory_space<hbm>>
      %dma_start3A_60 = tpu.memref_squeeze %dma_start3A_59 : memref<1x16x125x80xi32, #tpu.memory_space<hbm>> -> memref<16x125x80xi32, #tpu.memory_space<hbm>>
      %dma_start3A_61 = arith.constant 0 : i32
      %dma_start3A_62 = arith.constant 0 : i32
      %dma_start3A_63 = tpu.memref_slice %dma_start3A_60[%arg1, %dma_start3A_61, %dma_start3A_62] : memref<16x125x80xi32, #tpu.memory_space<hbm>> -> memref<1x125x80xi32, #tpu.memory_space<hbm>>
      %dma_start3A_64 = tpu.memref_squeeze %dma_start3A_63 : memref<1x125x80xi32, #tpu.memory_space<hbm>> -> memref<125x80xi32, #tpu.memory_space<hbm>>
      tpu.enqueue_dma source(%dma_start3A_64 : memref<125x80xi32, #tpu.memory_space<hbm>>) target(%arg8 : memref<125x80xi32, #tpu.memory_space<vmem>>) target_semaphore(%run_scoped3A_46 : memref<!tpu.dma_semaphore, #tpu.memory_space<semaphore_mem>>)
      %dma_wait3A_65 = arith.constant 0 : i32
      %dma_wait3A_66 = arith.constant 0 : i32
      %dma_wait3A_67 = arith.constant 0 : i32
      %dma_wait3A_68 = tpu.memref_slice %arg4[%arg0, %dma_wait3A_65, %dma_wait3A_66, %dma_wait3A_67] : memref<2x16x125x80xi32, #tpu.memory_space<hbm>> -> memref<1x16x125x80xi32, #tpu.memory_space<hbm>>
      %dma_wait3A_69 = tpu.memref_squeeze %dma_wait3A_68 : memref<1x16x125x80xi32, #tpu.memory_space<hbm>> -> memref<16x125x80xi32, #tpu.memory_space<hbm>>
      %dma_wait3A_70 = arith.constant 0 : i32
      %dma_wait3A_71 = arith.constant 0 : i32
      %dma_wait3A_72 = tpu.memref_slice %dma_wait3A_69[%arg1, %dma_wait3A_70, %dma_wait3A_71] : memref<16x125x80xi32, #tpu.memory_space<hbm>> -> memref<1x125x80xi32, #tpu.memory_space<hbm>>
      %dma_wait3A_73 = tpu.memref_squeeze %dma_wait3A_72 : memref<1x125x80xi32, #tpu.memory_space<hbm>> -> memref<125x80xi32, #tpu.memory_space<hbm>>
      %dma_wait3A_74 = arith.constant 0 : i32
      %dma_wait3A_75 = arith.constant 0 : i32
      %dma_wait3A_76 = arith.constant 0 : i32
      %dma_wait3A_77 = tpu.memref_slice %arg4[%arg0, %dma_wait3A_74, %dma_wait3A_75, %dma_wait3A_76] : memref<2x16x125x80xi32, #tpu.memory_space<hbm>> -> memref<1x16x125x80xi32, #tpu.memory_space<hbm>>
      %dma_wait3A_78 = tpu.memref_squeeze %dma_wait3A_77 : memref<1x16x125x80xi32, #tpu.memory_space<hbm>> -> memref<16x125x80xi32, #tpu.memory_space<hbm>>
      %dma_wait3A_79 = arith.constant 0 : i32
      %dma_wait3A_80 = arith.constant 0 : i32
      %dma_wait3A_81 = tpu.memref_slice %dma_wait3A_78[%arg1, %dma_wait3A_79, %dma_wait3A_80] : memref<16x125x80xi32, #tpu.memory_space<hbm>> -> memref<1x125x80xi32, #tpu.memory_space<hbm>>
      %dma_wait3A_82 = tpu.memref_squeeze %dma_wait3A_81 : memref<1x125x80xi32, #tpu.memory_space<hbm>> -> memref<125x80xi32, #tpu.memory_space<hbm>>
      tpu.wait_dma2 semaphore(%run_scoped3A_46 : memref<!tpu.dma_semaphore, #tpu.memory_space<semaphore_mem>>) src(%dma_wait3A_82 : memref<125x80xi32, #tpu.memory_space<hbm>>) dst(%arg8 : memref<125x80xi32, #tpu.memory_space<vmem>>)
      tpu.yield
    }) : () -> ()
    "tpu.region"() ({
      %run_scoped3A_46 = tpu.sem_alloc : memref<!tpu.dma_semaphore, #tpu.memory_space<semaphore_mem>>
      %dma_start3A_47 = arith.constant 0 : i32
      %dma_start3A_48 = arith.constant 0 : i32
      %dma_start3A_49 = arith.constant 0 : i32
      %dma_start3A_50 = tpu.memref_slice %arg5[%arg0, %dma_start3A_47, %dma_start3A_48, %dma_start3A_49] : memref<2x16x125x80xi32, #tpu.memory_space<hbm>> -> memref<1x16x125x80xi32, #tpu.memory_space<hbm>>
      %dma_start3A_51 = tpu.memref_squeeze %dma_start3A_50 : memref<1x16x125x80xi32, #tpu.memory_space<hbm>> -> memref<16x125x80xi32, #tpu.memory_space<hbm>>
      %dma_start3A_52 = arith.constant 0 : i32
      %dma_start3A_53 = arith.constant 0 : i32
      %dma_start3A_54 = tpu.memref_slice %dma_start3A_51[%arg1, %dma_start3A_52, %dma_start3A_53] : memref<16x125x80xi32, #tpu.memory_space<hbm>> -> memref<1x125x80xi32, #tpu.memory_space<hbm>>
      %dma_start3A_55 = tpu.memref_squeeze %dma_start3A_54 : memref<1x125x80xi32, #tpu.memory_space<hbm>> -> memref<125x80xi32, #tpu.memory_space<hbm>>
      %dma_start3A_56 = arith.constant 0 : i32
      %dma_start3A_57 = arith.constant 0 : i32
      %dma_start3A_58 = arith.constant 0 : i32
      %dma_start3A_59 = tpu.memref_slice %arg5[%arg0, %dma_start3A_56, %dma_start3A_57, %dma_start3A_58] : memref<2x16x125x80xi32, #tpu.memory_space<hbm>> -> memref<1x16x125x80xi32, #tpu.memory_space<hbm>>
      %dma_start3A_60 = tpu.memref_squeeze %dma_start3A_59 : memref<1x16x125x80xi32, #tpu.memory_space<hbm>> -> memref<16x125x80xi32, #tpu.memory_space<hbm>>
      %dma_start3A_61 = arith.constant 0 : i32
      %dma_start3A_62 = arith.constant 0 : i32
      %dma_start3A_63 = tpu.memref_slice %dma_start3A_60[%arg1, %dma_start3A_61, %dma_start3A_62] : memref<16x125x80xi32, #tpu.memory_space<hbm>> -> memref<1x125x80xi32, #tpu.memory_space<hbm>>
      %dma_start3A_64 = tpu.memref_squeeze %dma_start3A_63 : memref<1x125x80xi32, #tpu.memory_space<hbm>> -> memref<125x80xi32, #tpu.memory_space<hbm>>
      tpu.enqueue_dma source(%dma_start3A_64 : memref<125x80xi32, #tpu.memory_space<hbm>>) target(%arg9 : memref<125x80xi32, #tpu.memory_space<vmem>>) target_semaphore(%run_scoped3A_46 : memref<!tpu.dma_semaphore, #tpu.memory_space<semaphore_mem>>)
      %dma_wait3A_65 = arith.constant 0 : i32
      %dma_wait3A_66 = arith.constant 0 : i32
      %dma_wait3A_67 = arith.constant 0 : i32
      %dma_wait3A_68 = tpu.memref_slice %arg5[%arg0, %dma_wait3A_65, %dma_wait3A_66, %dma_wait3A_67] : memref<2x16x125x80xi32, #tpu.memory_space<hbm>> -> memref<1x16x125x80xi32, #tpu.memory_space<hbm>>
      %dma_wait3A_69 = tpu.memref_squeeze %dma_wait3A_68 : memref<1x16x125x80xi32, #tpu.memory_space<hbm>> -> memref<16x125x80xi32, #tpu.memory_space<hbm>>
      %dma_wait3A_70 = arith.constant 0 : i32
      %dma_wait3A_71 = arith.constant 0 : i32
      %dma_wait3A_72 = tpu.memref_slice %dma_wait3A_69[%arg1, %dma_wait3A_70, %dma_wait3A_71] : memref<16x125x80xi32, #tpu.memory_space<hbm>> -> memref<1x125x80xi32, #tpu.memory_space<hbm>>
      %dma_wait3A_73 = tpu.memref_squeeze %dma_wait3A_72 : memref<1x125x80xi32, #tpu.memory_space<hbm>> -> memref<125x80xi32, #tpu.memory_space<hbm>>
      %dma_wait3A_74 = arith.constant 0 : i32
      %dma_wait3A_75 = arith.constant 0 : i32
      %dma_wait3A_76 = arith.constant 0 : i32
      %dma_wait3A_77 = tpu.memref_slice %arg5[%arg0, %dma_wait3A_74, %dma_wait3A_75, %dma_wait3A_76] : memref<2x16x125x80xi32, #tpu.memory_space<hbm>> -> memref<1x16x125x80xi32, #tpu.memory_space<hbm>>
      %dma_wait3A_78 = tpu.memref_squeeze %dma_wait3A_77 : memref<1x16x125x80xi32, #tpu.memory_space<hbm>> -> memref<16x125x80xi32, #tpu.memory_space<hbm>>
      %dma_wait3A_79 = arith.constant 0 : i32
      %dma_wait3A_80 = arith.constant 0 : i32
      %dma_wait3A_81 = tpu.memref_slice %dma_wait3A_78[%arg1, %dma_wait3A_79, %dma_wait3A_80] : memref<16x125x80xi32, #tpu.memory_space<hbm>> -> memref<1x125x80xi32, #tpu.memory_space<hbm>>
      %dma_wait3A_82 = tpu.memref_squeeze %dma_wait3A_81 : memref<1x125x80xi32, #tpu.memory_space<hbm>> -> memref<125x80xi32, #tpu.memory_space<hbm>>
      tpu.wait_dma2 semaphore(%run_scoped3A_46 : memref<!tpu.dma_semaphore, #tpu.memory_space<semaphore_mem>>) src(%dma_wait3A_82 : memref<125x80xi32, #tpu.memory_space<hbm>>) dst(%arg9 : memref<125x80xi32, #tpu.memory_space<vmem>>)
      tpu.yield
    }) : () -> ()
    %dma_start3A = arith.constant 0 : i32
    %dma_start3A_14 = arith.constant 0 : i32
    %dma_start3A_15 = tpu.memref_slice %arg8[%dma_start3A, %dma_start3A_14] : memref<125x80xi32, #tpu.memory_space<vmem>> -> memref<1x80xi32, #tpu.memory_space<vmem>>
    %dma_start3A_16 = tpu.memref_squeeze %dma_start3A_15 : memref<1x80xi32, #tpu.memory_space<vmem>> -> memref<80xi32, #tpu.memory_space<vmem>>
    %dma_start3A_17 = arith.constant 0 : i32
    %dma_start3A_18 = arith.constant 0 : i32
    %dma_start3A_19 = tpu.memref_slice %arg2[%dma_start3A_17, %dma_start3A_18] : memref<10000x128xbf16, #tpu.memory_space<hbm>> -> memref<10000x128xbf16, #tpu.memory_space<hbm>>
    tpu.enqueue_indirect_dma source(%dma_start3A_19 : memref<10000x128xbf16, #tpu.memory_space<hbm>>) target(%arg10 : memref<80x128xbf16, #tpu.memory_space<vmem>>) offsets(%dma_start3A_16 : memref<80xi32, #tpu.memory_space<vmem>>) semaphore(%arg14 : memref<!tpu.dma_semaphore, #tpu.memory_space<semaphore_mem>>)
    %scan3A_20 = arith.constant 0 : i32
    %scan3A_21 = arith.constant 0 : i32
    %scan3A_22 = arith.constant 62 : i32
    %scan3A_23 = arith.addi %scan3A_21, %scan3A_22 : i32
    %scan3A_24 = arith.constant 1 : i32
    scf.for %scan3A_46 = %scan3A_21 to %scan3A_23 step %scan3A_24  : i32 {
      %mul3A_47 = arith.constant 2 : i32
      %mul3A_48 = arith.muli %mul3A_47, %scan3A_46 : i32
      %dma_wait3A_49 = arith.constant 0 : i32
      %dma_wait3A_50 = tpu.memref_slice %arg8[%mul3A_48, %dma_wait3A_49] : memref<125x80xi32, #tpu.memory_space<vmem>> -> memref<1x80xi32, #tpu.memory_space<vmem>>
      %dma_wait3A_51 = tpu.memref_squeeze %dma_wait3A_50 : memref<1x80xi32, #tpu.memory_space<vmem>> -> memref<80xi32, #tpu.memory_space<vmem>>
      %dma_wait3A_52 = arith.constant 0 : i32
      %dma_wait3A_53 = arith.constant 0 : i32
      %dma_wait3A_54 = tpu.memref_slice %arg2[%dma_wait3A_52, %dma_wait3A_53] : memref<10000x128xbf16, #tpu.memory_space<hbm>> -> memref<10000x128xbf16, #tpu.memory_space<hbm>>
      tpu.wait_indirect_dma semaphore(%arg14 : memref<!tpu.dma_semaphore, #tpu.memory_space<semaphore_mem>>) src(%dma_wait3A_54 : memref<10000x128xbf16, #tpu.memory_space<hbm>>) dst(%arg10 : memref<80x128xbf16, #tpu.memory_space<vmem>>)
      %add3A_55 = arith.constant 1 : i32
      %add3A_56 = arith.addi %mul3A_48, %add3A_55 : i32
      %dma_start3A_57 = arith.constant 0 : i32
      %dma_start3A_58 = tpu.memref_slice %arg8[%add3A_56, %dma_start3A_57] : memref<125x80xi32, #tpu.memory_space<vmem>> -> memref<1x80xi32, #tpu.memory_space<vmem>>
      %dma_start3A_59 = tpu.memref_squeeze %dma_start3A_58 : memref<1x80xi32, #tpu.memory_space<vmem>> -> memref<80xi32, #tpu.memory_space<vmem>>
      %dma_start3A_60 = arith.constant 0 : i32
      %dma_start3A_61 = arith.constant 0 : i32
      %dma_start3A_62 = tpu.memref_slice %arg2[%dma_start3A_60, %dma_start3A_61] : memref<10000x128xbf16, #tpu.memory_space<hbm>> -> memref<10000x128xbf16, #tpu.memory_space<hbm>>
      tpu.enqueue_indirect_dma source(%dma_start3A_62 : memref<10000x128xbf16, #tpu.memory_space<hbm>>) target(%arg11 : memref<80x128xbf16, #tpu.memory_space<vmem>>) offsets(%dma_start3A_59 : memref<80xi32, #tpu.memory_space<vmem>>) semaphore(%arg15 : memref<!tpu.dma_semaphore, #tpu.memory_space<semaphore_mem>>)
      "tpu.region"() ({
        %run_scoped3A_95 = tpu.sem_alloc : memref<!tpu.dma_semaphore, #tpu.memory_space<semaphore_mem>>
        %dma_start3A_96 = arith.constant 0 : i32
        %dma_start3A_97 = tpu.memref_slice %arg9[%mul3A_48, %dma_start3A_96] : memref<125x80xi32, #tpu.memory_space<vmem>> -> memref<1x80xi32, #tpu.memory_space<vmem>>
        %dma_start3A_98 = tpu.memref_squeeze %dma_start3A_97 : memref<1x80xi32, #tpu.memory_space<vmem>> -> memref<80xi32, #tpu.memory_space<vmem>>
        %dma_start3A_99 = arith.constant 0 : i32
        %dma_start3A_100 = arith.constant 0 : i32
        %dma_start3A_101 = tpu.memref_slice %arg16[%dma_start3A_99, %dma_start3A_100] : memref<10240x128xbf16, #tpu.memory_space<vmem_shared>> -> memref<10240x128xbf16, #tpu.memory_space<vmem_shared>>
        tpu.enqueue_indirect_dma source(%arg10 : memref<80x128xbf16, #tpu.memory_space<vmem>>) target(%dma_start3A_101 : memref<10240x128xbf16, #tpu.memory_space<vmem_shared>>) offsets(%dma_start3A_98 : memref<80xi32, #tpu.memory_space<vmem>>) semaphore(%run_scoped3A_95 : memref<!tpu.dma_semaphore, #tpu.memory_space<semaphore_mem>>) {add = true}
        %dma_wait3A_102 = arith.constant 0 : i32
        %dma_wait3A_103 = tpu.memref_slice %arg9[%mul3A_48, %dma_wait3A_102] : memref<125x80xi32, #tpu.memory_space<vmem>> -> memref<1x80xi32, #tpu.memory_space<vmem>>
        %dma_wait3A_104 = tpu.memref_squeeze %dma_wait3A_103 : memref<1x80xi32, #tpu.memory_space<vmem>> -> memref<80xi32, #tpu.memory_space<vmem>>
        %dma_wait3A_105 = arith.constant 0 : i32
        %dma_wait3A_106 = arith.constant 0 : i32
        %dma_wait3A_107 = tpu.memref_slice %arg16[%dma_wait3A_105, %dma_wait3A_106] : memref<10240x128xbf16, #tpu.memory_space<vmem_shared>> -> memref<10240x128xbf16, #tpu.memory_space<vmem_shared>>
        tpu.wait_indirect_dma semaphore(%run_scoped3A_95 : memref<!tpu.dma_semaphore, #tpu.memory_space<semaphore_mem>>) src(%arg10 : memref<80x128xbf16, #tpu.memory_space<vmem>>) dst(%dma_wait3A_107 : memref<10240x128xbf16, #tpu.memory_space<vmem_shared>>)
        tpu.yield
      }) : () -> ()
      %scan3A_63 = arith.constant 0 : i32
      %scan3A_64 = arith.constant 0 : i32
      %scan3A_65 = arith.constant 5 : i32
      %scan3A_66 = arith.addi %scan3A_64, %scan3A_65 : i32
      %scan3A_67 = arith.constant 1 : i32
      scf.for %scan3A_95 = %scan3A_64 to %scan3A_66 step %scan3A_67  : i32 {
        %mul3A_96 = arith.constant 16 : i32
        %mul3A_97 = arith.muli %scan3A_95, %mul3A_96 : i32
        %get3A = arith.index_cast %mul3A_48 : i32 to index
        %get3A_98 = arith.index_cast %mul3A_97 : i32 to index
        %get3A_99 = tpu.vector_load %arg9[%get3A, %get3A_98] {strides = array<i32>} : memref<125x80xi32, #tpu.memory_space<vmem>>, vector<16xi32>,
        tpu.vector_store_idx %arg12[%get3A_99], %broadcast_in_dim3A_2 {add = true} : memref<10240xf32, #tpu.memory_space<vmem>>[vector<16xi32>], vector<16xf32>,
      }
      %scan3A_68 = arith.constant 5 : i32
      %add3A_69 = arith.constant 1 : i32
      %add3A_70 = arith.addi %mul3A_48, %add3A_69 : i32
      %dma_wait3A_71 = arith.constant 0 : i32
      %dma_wait3A_72 = tpu.memref_slice %arg8[%add3A_70, %dma_wait3A_71] : memref<125x80xi32, #tpu.memory_space<vmem>> -> memref<1x80xi32, #tpu.memory_space<vmem>>
      %dma_wait3A_73 = tpu.memref_squeeze %dma_wait3A_72 : memref<1x80xi32, #tpu.memory_space<vmem>> -> memref<80xi32, #tpu.memory_space<vmem>>
      %dma_wait3A_74 = arith.constant 0 : i32
      %dma_wait3A_75 = arith.constant 0 : i32
      %dma_wait3A_76 = tpu.memref_slice %arg2[%dma_wait3A_74, %dma_wait3A_75] : memref<10000x128xbf16, #tpu.memory_space<hbm>> -> memref<10000x128xbf16, #tpu.memory_space<hbm>>
      tpu.wait_indirect_dma semaphore(%arg15 : memref<!tpu.dma_semaphore, #tpu.memory_space<semaphore_mem>>) src(%dma_wait3A_76 : memref<10000x128xbf16, #tpu.memory_space<hbm>>) dst(%arg11 : memref<80x128xbf16, #tpu.memory_space<vmem>>)
      %add3A_77 = arith.constant 2 : i32
      %add3A_78 = arith.addi %mul3A_48, %add3A_77 : i32
      %dma_start3A_79 = arith.constant 0 : i32
      %dma_start3A_80 = tpu.memref_slice %arg8[%add3A_78, %dma_start3A_79] : memref<125x80xi32, #tpu.memory_space<vmem>> -> memref<1x80xi32, #tpu.memory_space<vmem>>
      %dma_start3A_81 = tpu.memref_squeeze %dma_start3A_80 : memref<1x80xi32, #tpu.memory_space<vmem>> -> memref<80xi32, #tpu.memory_space<vmem>>
      %dma_start3A_82 = arith.constant 0 : i32
      %dma_start3A_83 = arith.constant 0 : i32
      %dma_start3A_84 = tpu.memref_slice %arg2[%dma_start3A_82, %dma_start3A_83] : memref<10000x128xbf16, #tpu.memory_space<hbm>> -> memref<10000x128xbf16, #tpu.memory_space<hbm>>
      tpu.enqueue_indirect_dma source(%dma_start3A_84 : memref<10000x128xbf16, #tpu.memory_space<hbm>>) target(%arg10 : memref<80x128xbf16, #tpu.memory_space<vmem>>) offsets(%dma_start3A_81 : memref<80xi32, #tpu.memory_space<vmem>>) semaphore(%arg14 : memref<!tpu.dma_semaphore, #tpu.memory_space<semaphore_mem>>)
      %add3A_85 = arith.constant 1 : i32
      %add3A_86 = arith.addi %mul3A_48, %add3A_85 : i32
      "tpu.region"() ({
        %run_scoped3A_95 = tpu.sem_alloc : memref<!tpu.dma_semaphore, #tpu.memory_space<semaphore_mem>>
        %dma_start3A_96 = arith.constant 0 : i32
        %dma_start3A_97 = tpu.memref_slice %arg9[%add3A_86, %dma_start3A_96] : memref<125x80xi32, #tpu.memory_space<vmem>> -> memref<1x80xi32, #tpu.memory_space<vmem>>
        %dma_start3A_98 = tpu.memref_squeeze %dma_start3A_97 : memref<1x80xi32, #tpu.memory_space<vmem>> -> memref<80xi32, #tpu.memory_space<vmem>>
        %dma_start3A_99 = arith.constant 0 : i32
        %dma_start3A_100 = arith.constant 0 : i32
        %dma_start3A_101 = tpu.memref_slice %arg16[%dma_start3A_99, %dma_start3A_100] : memref<10240x128xbf16, #tpu.memory_space<vmem_shared>> -> memref<10240x128xbf16, #tpu.memory_space<vmem_shared>>
        tpu.enqueue_indirect_dma source(%arg11 : memref<80x128xbf16, #tpu.memory_space<vmem>>) target(%dma_start3A_101 : memref<10240x128xbf16, #tpu.memory_space<vmem_shared>>) offsets(%dma_start3A_98 : memref<80xi32, #tpu.memory_space<vmem>>) semaphore(%run_scoped3A_95 : memref<!tpu.dma_semaphore, #tpu.memory_space<semaphore_mem>>) {add = true}
        %dma_wait3A_102 = arith.constant 0 : i32
        %dma_wait3A_103 = tpu.memref_slice %arg9[%add3A_86, %dma_wait3A_102] : memref<125x80xi32, #tpu.memory_space<vmem>> -> memref<1x80xi32, #tpu.memory_space<vmem>>
        %dma_wait3A_104 = tpu.memref_squeeze %dma_wait3A_103 : memref<1x80xi32, #tpu.memory_space<vmem>> -> memref<80xi32, #tpu.memory_space<vmem>>
        %dma_wait3A_105 = arith.constant 0 : i32
        %dma_wait3A_106 = arith.constant 0 : i32
        %dma_wait3A_107 = tpu.memref_slice %arg16[%dma_wait3A_105, %dma_wait3A_106] : memref<10240x128xbf16, #tpu.memory_space<vmem_shared>> -> memref<10240x128xbf16, #tpu.memory_space<vmem_shared>>
        tpu.wait_indirect_dma semaphore(%run_scoped3A_95 : memref<!tpu.dma_semaphore, #tpu.memory_space<semaphore_mem>>) src(%arg11 : memref<80x128xbf16, #tpu.memory_space<vmem>>) dst(%dma_wait3A_107 : memref<10240x128xbf16, #tpu.memory_space<vmem_shared>>)
        tpu.yield
      }) : () -> ()
      %add3A_87 = arith.constant 1 : i32
      %add3A_88 = arith.addi %mul3A_48, %add3A_87 : i32
      %scan3A_89 = arith.constant 0 : i32
      %scan3A_90 = arith.constant 0 : i32
      %scan3A_91 = arith.constant 5 : i32
      %scan3A_92 = arith.addi %scan3A_90, %scan3A_91 : i32
      %scan3A_93 = arith.constant 1 : i32
      scf.for %scan3A_95 = %scan3A_90 to %scan3A_92 step %scan3A_93  : i32 {
        %mul3A_96 = arith.constant 16 : i32
        %mul3A_97 = arith.muli %scan3A_95, %mul3A_96 : i32
        %get3A = arith.index_cast %add3A_88 : i32 to index
        %get3A_98 = arith.index_cast %mul3A_97 : i32 to index
        %get3A_99 = tpu.vector_load %arg9[%get3A, %get3A_98] {strides = array<i32>} : memref<125x80xi32, #tpu.memory_space<vmem>>, vector<16xi32>,
        tpu.vector_store_idx %arg12[%get3A_99], %broadcast_in_dim3A_2 {add = true} : memref<10240xf32, #tpu.memory_space<vmem>>[vector<16xi32>], vector<16xf32>,
      }
      %scan3A_94 = arith.constant 5 : i32
    }
    %scan3A_25 = arith.constant 62 : i32
    %dma_wait3A = arith.constant 124 : i32
    %dma_wait3A_26 = arith.constant 0 : i32
    %dma_wait3A_27 = tpu.memref_slice %arg8[%dma_wait3A, %dma_wait3A_26] : memref<125x80xi32, #tpu.memory_space<vmem>> -> memref<1x80xi32, #tpu.memory_space<vmem>>
    %dma_wait3A_28 = tpu.memref_squeeze %dma_wait3A_27 : memref<1x80xi32, #tpu.memory_space<vmem>> -> memref<80xi32, #tpu.memory_space<vmem>>
    %dma_wait3A_29 = arith.constant 0 : i32
    %dma_wait3A_30 = arith.constant 0 : i32
    %dma_wait3A_31 = tpu.memref_slice %arg2[%dma_wait3A_29, %dma_wait3A_30] : memref<10000x128xbf16, #tpu.memory_space<hbm>> -> memref<10000x128xbf16, #tpu.memory_space<hbm>>
    tpu.wait_indirect_dma semaphore(%arg14 : memref<!tpu.dma_semaphore, #tpu.memory_space<semaphore_mem>>) src(%dma_wait3A_31 : memref<10000x128xbf16, #tpu.memory_space<hbm>>) dst(%arg10 : memref<80x128xbf16, #tpu.memory_space<vmem>>)
    %run_scoped3A = arith.constant 124 : i32
    "tpu.region"() ({
      %run_scoped3A_46 = tpu.sem_alloc : memref<!tpu.dma_semaphore, #tpu.memory_space<semaphore_mem>>
      %dma_start3A_47 = arith.constant 0 : i32
      %dma_start3A_48 = tpu.memref_slice %arg9[%run_scoped3A, %dma_start3A_47] : memref<125x80xi32, #tpu.memory_space<vmem>> -> memref<1x80xi32, #tpu.memory_space<vmem>>
      %dma_start3A_49 = tpu.memref_squeeze %dma_start3A_48 : memref<1x80xi32, #tpu.memory_space<vmem>> -> memref<80xi32, #tpu.memory_space<vmem>>
      %dma_start3A_50 = arith.constant 0 : i32
      %dma_start3A_51 = arith.constant 0 : i32
      %dma_start3A_52 = tpu.memref_slice %arg16[%dma_start3A_50, %dma_start3A_51] : memref<10240x128xbf16, #tpu.memory_space<vmem_shared>> -> memref<10240x128xbf16, #tpu.memory_space<vmem_shared>>
      tpu.enqueue_indirect_dma source(%arg10 : memref<80x128xbf16, #tpu.memory_space<vmem>>) target(%dma_start3A_52 : memref<10240x128xbf16, #tpu.memory_space<vmem_shared>>) offsets(%dma_start3A_49 : memref<80xi32, #tpu.memory_space<vmem>>) semaphore(%run_scoped3A_46 : memref<!tpu.dma_semaphore, #tpu.memory_space<semaphore_mem>>) {add = true}
      %dma_wait3A_53 = arith.constant 0 : i32
      %dma_wait3A_54 = tpu.memref_slice %arg9[%run_scoped3A, %dma_wait3A_53] : memref<125x80xi32, #tpu.memory_space<vmem>> -> memref<1x80xi32, #tpu.memory_space<vmem>>
      %dma_wait3A_55 = tpu.memref_squeeze %dma_wait3A_54 : memref<1x80xi32, #tpu.memory_space<vmem>> -> memref<80xi32, #tpu.memory_space<vmem>>
      %dma_wait3A_56 = arith.constant 0 : i32
      %dma_wait3A_57 = arith.constant 0 : i32
      %dma_wait3A_58 = tpu.memref_slice %arg16[%dma_wait3A_56, %dma_wait3A_57] : memref<10240x128xbf16, #tpu.memory_space<vmem_shared>> -> memref<10240x128xbf16, #tpu.memory_space<vmem_shared>>
      tpu.wait_indirect_dma semaphore(%run_scoped3A_46 : memref<!tpu.dma_semaphore, #tpu.memory_space<semaphore_mem>>) src(%arg10 : memref<80x128xbf16, #tpu.memory_space<vmem>>) dst(%dma_wait3A_58 : memref<10240x128xbf16, #tpu.memory_space<vmem_shared>>)
      tpu.yield
    }) : () -> ()
    %scan3A_32 = arith.constant 0 : i32
    %scan3A_33 = arith.constant 0 : i32
    %scan3A_34 = arith.constant 5 : i32
    %scan3A_35 = arith.addi %scan3A_33, %scan3A_34 : i32
    %scan3A_36 = arith.constant 1 : i32
    scf.for %scan3A_46 = %scan3A_33 to %scan3A_35 step %scan3A_36  : i32 {
      %mul3A_47 = arith.constant 16 : i32
      %mul3A_48 = arith.muli %scan3A_46, %mul3A_47 : i32
      %get3A = arith.constant 124 : i32
      %get3A_49 = arith.index_cast %get3A : i32 to index
      %get3A_50 = arith.index_cast %mul3A_48 : i32 to index
      %get3A_51 = tpu.vector_load %arg9[%get3A_49, %get3A_50] {strides = array<i32>} : memref<125x80xi32, #tpu.memory_space<vmem>>, vector<16xi32>,
      tpu.vector_store_idx %arg12[%get3A_51], %broadcast_in_dim3A_2 {add = true} : memref<10240xf32, #tpu.memory_space<vmem>>[vector<16xi32>], vector<16xf32>,
    }
    %scan3A_37 = arith.constant 5 : i32
    %barrier3A_38 = arith.constant 0 : index
    tpu.barrier barrier_id(%barrier3A_38)
    %mul3A = arith.constant 640 : i32
    %mul3A_39 = arith.muli %arg1, %mul3A : i32
    %mul3A_40 = arith.constant 640 : i32
    %mul3A_41 = arith.muli %arg1, %mul3A_40 : i32
    "tpu.region"() ({
      %run_scoped3A_46 = tpu.sem_alloc : memref<!tpu.dma_semaphore, #tpu.memory_space<semaphore_mem>>
      %dma_start3A_47 = arith.constant 0 : i32
      %dma_start3A_48 = arith.constant 0 : i32
      %dma_start3A_49 = tpu.memref_slice %arg6[%arg0, %dma_start3A_47, %dma_start3A_48] : memref<2x10240x128xbf16, #tpu.memory_space<hbm>> -> memref<1x10240x128xbf16, #tpu.memory_space<hbm>>
      %dma_start3A_50 = tpu.memref_squeeze %dma_start3A_49 : memref<1x10240x128xbf16, #tpu.memory_space<hbm>> -> memref<10240x128xbf16, #tpu.memory_space<hbm>>
      %dma_start3A_51 = arith.constant 0 : i32
      %dma_start3A_52 = tpu.memref_slice %dma_start3A_50[%mul3A_41, %dma_start3A_51] : memref<10240x128xbf16, #tpu.memory_space<hbm>> -> memref<640x128xbf16, #tpu.memory_space<hbm>>
      %dma_start3A_53 = arith.constant 0 : i32
      %dma_start3A_54 = tpu.memref_slice %arg16[%mul3A_39, %dma_start3A_53] : memref<10240x128xbf16, #tpu.memory_space<vmem_shared>> -> memref<640x128xbf16, #tpu.memory_space<vmem_shared>>
      tpu.enqueue_dma source(%dma_start3A_54 : memref<640x128xbf16, #tpu.memory_space<vmem_shared>>) target(%dma_start3A_52 : memref<640x128xbf16, #tpu.memory_space<hbm>>) target_semaphore(%run_scoped3A_46 : memref<!tpu.dma_semaphore, #tpu.memory_space<semaphore_mem>>)
      %dma_wait3A_55 = arith.constant 0 : i32
      %dma_wait3A_56 = arith.constant 0 : i32
      %dma_wait3A_57 = tpu.memref_slice %arg6[%arg0, %dma_wait3A_55, %dma_wait3A_56] : memref<2x10240x128xbf16, #tpu.memory_space<hbm>> -> memref<1x10240x128xbf16, #tpu.memory_space<hbm>>
      %dma_wait3A_58 = tpu.memref_squeeze %dma_wait3A_57 : memref<1x10240x128xbf16, #tpu.memory_space<hbm>> -> memref<10240x128xbf16, #tpu.memory_space<hbm>>
      %dma_wait3A_59 = arith.constant 0 : i32
      %dma_wait3A_60 = tpu.memref_slice %dma_wait3A_58[%mul3A_41, %dma_wait3A_59] : memref<10240x128xbf16, #tpu.memory_space<hbm>> -> memref<640x128xbf16, #tpu.memory_space<hbm>>
      %dma_wait3A_61 = arith.constant 0 : i32
      %dma_wait3A_62 = tpu.memref_slice %arg16[%mul3A_39, %dma_wait3A_61] : memref<10240x128xbf16, #tpu.memory_space<vmem_shared>> -> memref<640x128xbf16, #tpu.memory_space<vmem_shared>>
      tpu.wait_dma2 semaphore(%run_scoped3A_46 : memref<!tpu.dma_semaphore, #tpu.memory_space<semaphore_mem>>) src(%dma_wait3A_62 : memref<640x128xbf16, #tpu.memory_space<vmem_shared>>) dst(%dma_wait3A_60 : memref<640x128xbf16, #tpu.memory_space<hbm>>)
      tpu.yield
    }) : () -> ()
    %mul3A_42 = arith.constant 16 : i32
    %mul3A_43 = arith.muli %arg0, %mul3A_42 : i32
    %add3A = arith.addi %mul3A_43, %arg1 : i32
    %mul3A_44 = arith.constant 10240 : i32
    %mul3A_45 = arith.muli %add3A, %mul3A_44 : i32
    "tpu.region"() ({
      %run_scoped3A_46 = tpu.sem_alloc : memref<!tpu.dma_semaphore, #tpu.memory_space<semaphore_mem>>
      %dma_start3A_47 = tpu.memref_slice %arg7[%mul3A_45] : memref<327680xf32, #tpu.memory_space<hbm>> -> memref<10240xf32, #tpu.memory_space<hbm>>
      %dma_start3A_48 = tpu.memref_slice %arg7[%mul3A_45] : memref<327680xf32, #tpu.memory_space<hbm>> -> memref<10240xf32, #tpu.memory_space<hbm>>
      tpu.enqueue_dma source(%arg12 : memref<10240xf32, #tpu.memory_space<vmem>>) target(%dma_start3A_48 : memref<10240xf32, #tpu.memory_space<hbm>>) target_semaphore(%run_scoped3A_46 : memref<!tpu.dma_semaphore, #tpu.memory_space<semaphore_mem>>)
      %dma_wait3A_49 = tpu.memref_slice %arg7[%mul3A_45] : memref<327680xf32, #tpu.memory_space<hbm>> -> memref<10240xf32, #tpu.memory_space<hbm>>
      %dma_wait3A_50 = tpu.memref_slice %arg7[%mul3A_45] : memref<327680xf32, #tpu.memory_space<hbm>> -> memref<10240xf32, #tpu.memory_space<hbm>>
      tpu.wait_dma2 semaphore(%run_scoped3A_46 : memref<!tpu.dma_semaphore, #tpu.memory_space<semaphore_mem>>) src(%arg12 : memref<10240xf32, #tpu.memory_space<vmem>>) dst(%dma_wait3A_50 : memref<10240xf32, #tpu.memory_space<hbm>>)
      tpu.yield
    }) : () -> ()
    return
  }
}

#map = affine_map<(d0, d1) -> (0)>
module attributes {stable_mosaic.version = 14 : i64} {
  func.func @_sc_agg2_body(%arg0: i32, %arg1: i32, %arg2: memref<10000xf32, #tpu.memory_space<hbm>>, %arg3: memref<10000xf32, #tpu.memory_space<hbm>>, %arg4: memref<320000xi32, #tpu.memory_space<hbm>>, %arg5: memref<320000xi32, #tpu.memory_space<hbm>>, %arg6: memref<640000xf32, #tpu.memory_space<hbm>>, %arg7: memref<10000xi32, #tpu.memory_space<vmem>>, %arg8: memref<10000xi32, #tpu.memory_space<vmem>>, %arg9: memref<10000xf32, #tpu.memory_space<vmem>>, %arg10: memref<10000xf32, #tpu.memory_space<vmem>>, %arg11: memref<10000xf32, #tpu.memory_space<vmem>>, %arg12: memref<10000xf32, #tpu.memory_space<vmem>>) attributes {dimension_semantics = [#tpu.dimension_semantics<core_parallel>, #tpu.dimension_semantics<subcore_parallel>], iteration_bounds = array<i64: 2, 16>, scalar_prefetch = 0 : i64, scratch_operands = 6 : i64, tpu.core_type = #tpu.core_type<sc_vector_subcore>, window_params = [{transform_indices = #map}, {transform_indices = #map}, {transform_indices = #map}, {transform_indices = #map}, {transform_indices = #map}]} {
    %mul3A = arith.constant 2 : i32
    %mul3A_0 = arith.muli %arg1, %mul3A : i32
    %add3A = arith.addi %mul3A_0, %arg0 : i32
    %broadcast_in_dim3A = arith.constant 0.000000e+00 : f32
    %broadcast_in_dim3A_1 = vector.broadcast %broadcast_in_dim3A : f32 to vector<16xf32>
    %scan3A = arith.constant 0 : i32
    %scan3A_2 = arith.constant 0 : i32
    %scan3A_3 = arith.constant 625 : i32
    %scan3A_4 = arith.addi %scan3A_2, %scan3A_3 : i32
    %scan3A_5 = arith.constant 1 : i32
    scf.for %scan3A_23 = %scan3A_2 to %scan3A_4 step %scan3A_5  : i32 {
      %mul3A_24 = arith.constant 16 : i32
      %mul3A_25 = arith.muli %scan3A_23, %mul3A_24 : i32
      %swap3A = arith.index_cast %mul3A_25 : i32 to index
      %swap3A_26 = tpu.vector_load %arg11[%swap3A] {strides = array<i32>} : memref<10000xf32, #tpu.memory_space<vmem>>, vector<16xf32>,
      tpu.vector_store %arg11[%swap3A], %broadcast_in_dim3A_1 {strides = array<i32>} : memref<10000xf32, #tpu.memory_space<vmem>>, vector<16xf32>,
      %mul3A_27 = arith.constant 16 : i32
      %mul3A_28 = arith.muli %scan3A_23, %mul3A_27 : i32
      %swap3A_29 = arith.index_cast %mul3A_28 : i32 to index
      %swap3A_30 = tpu.vector_load %arg12[%swap3A_29] {strides = array<i32>} : memref<10000xf32, #tpu.memory_space<vmem>>, vector<16xf32>,
      tpu.vector_store %arg12[%swap3A_29], %broadcast_in_dim3A_1 {strides = array<i32>} : memref<10000xf32, #tpu.memory_space<vmem>>, vector<16xf32>,
    }
    %scan3A_6 = arith.constant 625 : i32
    %mul3A_7 = arith.constant 10000 : i32
    %mul3A_8 = arith.muli %add3A, %mul3A_7 : i32
    "tpu.region"() ({
      %run_scoped3A = tpu.sem_alloc : memref<!tpu.dma_semaphore, #tpu.memory_space<semaphore_mem>>
      %dma_start3A = tpu.memref_slice %arg4[%mul3A_8] : memref<320000xi32, #tpu.memory_space<hbm>> -> memref<10000xi32, #tpu.memory_space<hbm>>
      %dma_start3A_23 = tpu.memref_slice %arg4[%mul3A_8] : memref<320000xi32, #tpu.memory_space<hbm>> -> memref<10000xi32, #tpu.memory_space<hbm>>
      tpu.enqueue_dma source(%dma_start3A_23 : memref<10000xi32, #tpu.memory_space<hbm>>) target(%arg7 : memref<10000xi32, #tpu.memory_space<vmem>>) target_semaphore(%run_scoped3A : memref<!tpu.dma_semaphore, #tpu.memory_space<semaphore_mem>>)
      %dma_wait3A = tpu.memref_slice %arg4[%mul3A_8] : memref<320000xi32, #tpu.memory_space<hbm>> -> memref<10000xi32, #tpu.memory_space<hbm>>
      %dma_wait3A_24 = tpu.memref_slice %arg4[%mul3A_8] : memref<320000xi32, #tpu.memory_space<hbm>> -> memref<10000xi32, #tpu.memory_space<hbm>>
      tpu.wait_dma2 semaphore(%run_scoped3A : memref<!tpu.dma_semaphore, #tpu.memory_space<semaphore_mem>>) src(%dma_wait3A_24 : memref<10000xi32, #tpu.memory_space<hbm>>) dst(%arg7 : memref<10000xi32, #tpu.memory_space<vmem>>)
      tpu.yield
    }) : () -> ()
    %mul3A_9 = arith.constant 10000 : i32
    %mul3A_10 = arith.muli %add3A, %mul3A_9 : i32
    "tpu.region"() ({
      %run_scoped3A = tpu.sem_alloc : memref<!tpu.dma_semaphore, #tpu.memory_space<semaphore_mem>>
      %dma_start3A = tpu.memref_slice %arg5[%mul3A_10] : memref<320000xi32, #tpu.memory_space<hbm>> -> memref<10000xi32, #tpu.memory_space<hbm>>
      %dma_start3A_23 = tpu.memref_slice %arg5[%mul3A_10] : memref<320000xi32, #tpu.memory_space<hbm>> -> memref<10000xi32, #tpu.memory_space<hbm>>
      tpu.enqueue_dma source(%dma_start3A_23 : memref<10000xi32, #tpu.memory_space<hbm>>) target(%arg8 : memref<10000xi32, #tpu.memory_space<vmem>>) target_semaphore(%run_scoped3A : memref<!tpu.dma_semaphore, #tpu.memory_space<semaphore_mem>>)
      %dma_wait3A = tpu.memref_slice %arg5[%mul3A_10] : memref<320000xi32, #tpu.memory_space<hbm>> -> memref<10000xi32, #tpu.memory_space<hbm>>
      %dma_wait3A_24 = tpu.memref_slice %arg5[%mul3A_10] : memref<320000xi32, #tpu.memory_space<hbm>> -> memref<10000xi32, #tpu.memory_space<hbm>>
      tpu.wait_dma2 semaphore(%run_scoped3A : memref<!tpu.dma_semaphore, #tpu.memory_space<semaphore_mem>>) src(%dma_wait3A_24 : memref<10000xi32, #tpu.memory_space<hbm>>) dst(%arg8 : memref<10000xi32, #tpu.memory_space<vmem>>)
      tpu.yield
    }) : () -> ()
    "tpu.region"() ({
      %run_scoped3A = tpu.sem_alloc : memref<!tpu.dma_semaphore, #tpu.memory_space<semaphore_mem>>
      tpu.enqueue_dma source(%arg2 : memref<10000xf32, #tpu.memory_space<hbm>>) target(%arg9 : memref<10000xf32, #tpu.memory_space<vmem>>) target_semaphore(%run_scoped3A : memref<!tpu.dma_semaphore, #tpu.memory_space<semaphore_mem>>)
      tpu.wait_dma2 semaphore(%run_scoped3A : memref<!tpu.dma_semaphore, #tpu.memory_space<semaphore_mem>>) src(%arg2 : memref<10000xf32, #tpu.memory_space<hbm>>) dst(%arg9 : memref<10000xf32, #tpu.memory_space<vmem>>)
      tpu.yield
    }) : () -> ()
    "tpu.region"() ({
      %run_scoped3A = tpu.sem_alloc : memref<!tpu.dma_semaphore, #tpu.memory_space<semaphore_mem>>
      tpu.enqueue_dma source(%arg3 : memref<10000xf32, #tpu.memory_space<hbm>>) target(%arg10 : memref<10000xf32, #tpu.memory_space<vmem>>) target_semaphore(%run_scoped3A : memref<!tpu.dma_semaphore, #tpu.memory_space<semaphore_mem>>)
      tpu.wait_dma2 semaphore(%run_scoped3A : memref<!tpu.dma_semaphore, #tpu.memory_space<semaphore_mem>>) src(%arg3 : memref<10000xf32, #tpu.memory_space<hbm>>) dst(%arg10 : memref<10000xf32, #tpu.memory_space<vmem>>)
      tpu.yield
    }) : () -> ()
    %scan3A_11 = arith.constant 0 : i32
    %scan3A_12 = arith.constant 0 : i32
    %scan3A_13 = arith.constant 625 : i32
    %scan3A_14 = arith.addi %scan3A_12, %scan3A_13 : i32
    %scan3A_15 = arith.constant 1 : i32
    scf.for %scan3A_23 = %scan3A_12 to %scan3A_14 step %scan3A_15  : i32 {
      %mul3A_24 = arith.constant 16 : i32
      %mul3A_25 = arith.muli %scan3A_23, %mul3A_24 : i32
      %get3A = arith.index_cast %mul3A_25 : i32 to index
      %get3A_26 = tpu.vector_load %arg7[%get3A] {strides = array<i32>} : memref<10000xi32, #tpu.memory_space<vmem>>, vector<16xi32>,
      %mul3A_27 = arith.constant 16 : i32
      %mul3A_28 = arith.muli %scan3A_23, %mul3A_27 : i32
      %get3A_29 = arith.index_cast %mul3A_28 : i32 to index
      %get3A_30 = tpu.vector_load %arg8[%get3A_29] {strides = array<i32>} : memref<10000xi32, #tpu.memory_space<vmem>>, vector<16xi32>,
      %gather3A = tpu.vector_load_idx %arg9[%get3A_26] : memref<10000xf32, #tpu.memory_space<vmem>>[vector<16xi32>], vector<16xf32>,
      %gather3A_31 = tpu.vector_load_idx %arg10[%get3A_26] : memref<10000xf32, #tpu.memory_space<vmem>>[vector<16xi32>], vector<16xf32>,
      tpu.vector_store_idx %arg11[%get3A_30], %gather3A {add = true} : memref<10000xf32, #tpu.memory_space<vmem>>[vector<16xi32>], vector<16xf32>,
      tpu.vector_store_idx %arg12[%get3A_30], %gather3A_31 {add = true} : memref<10000xf32, #tpu.memory_space<vmem>>[vector<16xi32>], vector<16xf32>,
    }
    %scan3A_16 = arith.constant 625 : i32
    %mul3A_17 = arith.constant 10000 : i32
    %mul3A_18 = arith.muli %add3A, %mul3A_17 : i32
    "tpu.region"() ({
      %run_scoped3A = tpu.sem_alloc : memref<!tpu.dma_semaphore, #tpu.memory_space<semaphore_mem>>
      %dma_start3A = tpu.memref_slice %arg6[%mul3A_18] : memref<640000xf32, #tpu.memory_space<hbm>> -> memref<10000xf32, #tpu.memory_space<hbm>>
      %dma_start3A_23 = tpu.memref_slice %arg6[%mul3A_18] : memref<640000xf32, #tpu.memory_space<hbm>> -> memref<10000xf32, #tpu.memory_space<hbm>>
      tpu.enqueue_dma source(%arg11 : memref<10000xf32, #tpu.memory_space<vmem>>) target(%dma_start3A_23 : memref<10000xf32, #tpu.memory_space<hbm>>) target_semaphore(%run_scoped3A : memref<!tpu.dma_semaphore, #tpu.memory_space<semaphore_mem>>)
      %dma_wait3A = tpu.memref_slice %arg6[%mul3A_18] : memref<640000xf32, #tpu.memory_space<hbm>> -> memref<10000xf32, #tpu.memory_space<hbm>>
      %dma_wait3A_24 = tpu.memref_slice %arg6[%mul3A_18] : memref<640000xf32, #tpu.memory_space<hbm>> -> memref<10000xf32, #tpu.memory_space<hbm>>
      tpu.wait_dma2 semaphore(%run_scoped3A : memref<!tpu.dma_semaphore, #tpu.memory_space<semaphore_mem>>) src(%arg11 : memref<10000xf32, #tpu.memory_space<vmem>>) dst(%dma_wait3A_24 : memref<10000xf32, #tpu.memory_space<hbm>>)
      tpu.yield
    }) : () -> ()
    %add3A_19 = arith.constant 32 : i32
    %add3A_20 = arith.addi %add3A_19, %add3A : i32
    %mul3A_21 = arith.constant 10000 : i32
    %mul3A_22 = arith.muli %add3A_20, %mul3A_21 : i32
    "tpu.region"() ({
      %run_scoped3A = tpu.sem_alloc : memref<!tpu.dma_semaphore, #tpu.memory_space<semaphore_mem>>
      %dma_start3A = tpu.memref_slice %arg6[%mul3A_22] : memref<640000xf32, #tpu.memory_space<hbm>> -> memref<10000xf32, #tpu.memory_space<hbm>>
      %dma_start3A_23 = tpu.memref_slice %arg6[%mul3A_22] : memref<640000xf32, #tpu.memory_space<hbm>> -> memref<10000xf32, #tpu.memory_space<hbm>>
      tpu.enqueue_dma source(%arg12 : memref<10000xf32, #tpu.memory_space<vmem>>) target(%dma_start3A_23 : memref<10000xf32, #tpu.memory_space<hbm>>) target_semaphore(%run_scoped3A : memref<!tpu.dma_semaphore, #tpu.memory_space<semaphore_mem>>)
      %dma_wait3A = tpu.memref_slice %arg6[%mul3A_22] : memref<640000xf32, #tpu.memory_space<hbm>> -> memref<10000xf32, #tpu.memory_space<hbm>>
      %dma_wait3A_24 = tpu.memref_slice %arg6[%mul3A_22] : memref<640000xf32, #tpu.memory_space<hbm>> -> memref<10000xf32, #tpu.memory_space<hbm>>
      tpu.wait_dma2 semaphore(%run_scoped3A : memref<!tpu.dma_semaphore, #tpu.memory_space<semaphore_mem>>) src(%arg12 : memref<10000xf32, #tpu.memory_space<vmem>>) dst(%dma_wait3A_24 : memref<10000xf32, #tpu.memory_space<hbm>>)
      tpu.yield
    }) : () -> ()
    return
  }
}

module attributes {stable_mosaic.version = 14 : i64} {
  func.func @_tc1_body(%arg0: memref<10000x128xbf16, #tpu.memory_space<vmem>>, %arg1: memref<2x10240x128xbf16, #tpu.memory_space<vmem>>, %arg2: memref<32x10240xf32, #tpu.memory_space<vmem>>, %arg3: memref<256x128xf32, #tpu.memory_space<vmem>>, %arg4: memref<1x256xf32, #tpu.memory_space<vmem>>, %arg5: memref<256x128xf32, #tpu.memory_space<vmem>>, %arg6: memref<2x256xf32, #tpu.memory_space<vmem>>, %arg7: memref<2x256xf32, #tpu.memory_space<vmem>>, %arg8: memref<8x10000xf32, #tpu.memory_space<vmem>>) attributes {dimension_semantics = [], scalar_prefetch = 0 : i64, scratch_operands = 0 : i64, tpu.core_type = #tpu.core_type<tc>} {
    %get3A = arith.constant 0 : index
    %get3A_0 = arith.constant 0 : index
    %get3A_1 = vector.load %arg2[%get3A, %get3A_0] : memref<32x10240xf32, #tpu.memory_space<vmem>>, vector<32x10240xf32>
    %reduce_sum3A = arith.constant dense<0.000000e+00> : vector<10240xf32>
    %reduce_sum3A_2 = vector.multi_reduction <add>, %get3A_1, %reduce_sum3A [0] : vector<32x10240xf32> to vector<10240xf32>
    %slice3A = vector.extract_strided_slice %reduce_sum3A_2 {offsets = [0], sizes = [10000], strides = [1]} : vector<10240xf32> to vector<10000xf32>
    %gt3A = arith.constant 0.000000e+00 : f32
    %gt3A_3 = vector.broadcast %gt3A : f32 to vector<10000xf32>
    %gt3A_4 = arith.cmpf ogt, %slice3A, %gt3A_3 : vector<10000xf32>
    %max3A = arith.constant 1.000000e+00 : f32
    %max3A_5 = vector.broadcast %max3A : f32 to vector<10000xf32>
    %max3A_6 = arith.maximumf %slice3A, %max3A_5 : vector<10000xf32>
    %div3A = arith.constant 1.000000e+00 : f32
    %div3A_7 = vector.broadcast %div3A : f32 to vector<10000xf32>
    %div3A_8 = arith.divf %div3A_7, %max3A_6 : vector<10000xf32>
    %jit3A = arith.constant 0.000000e+00 : f32
    %broadcast_in_dim3A = vector.broadcast %jit3A : f32 to vector<10000xf32>
    %select_n3A = arith.select %gt3A_4, %div3A_8, %broadcast_in_dim3A : vector<10000xi1>, vector<10000xf32>
    %get3A_9 = arith.constant 0 : index
    %get3A_10 = arith.constant 0 : index
    %get3A_11 = arith.constant 0 : index
    %get3A_12 = vector.load %arg1[%get3A_9, %get3A_10, %get3A_11] : memref<2x10240x128xbf16, #tpu.memory_space<vmem>>, vector<1x10240x128xbf16>
    %get3A_13 = vector.shape_cast %get3A_12 : vector<1x10240x128xbf16> to vector<10240x128xbf16>
    %slice3A_14 = vector.extract_strided_slice %get3A_13 {offsets = [0, 0], sizes = [10000, 128], strides = [1, 1]} : vector<10240x128xbf16> to vector<10000x128xbf16>
    %convert_element_type3A = arith.extf %slice3A_14 : vector<10000x128xbf16> to vector<10000x128xf32>
    %get3A_15 = arith.constant 1 : index
    %get3A_16 = arith.constant 0 : index
    %get3A_17 = arith.constant 0 : index
    %get3A_18 = vector.load %arg1[%get3A_15, %get3A_16, %get3A_17] : memref<2x10240x128xbf16, #tpu.memory_space<vmem>>, vector<1x10240x128xbf16>
    %get3A_19 = vector.shape_cast %get3A_18 : vector<1x10240x128xbf16> to vector<10240x128xbf16>
    %slice3A_20 = vector.extract_strided_slice %get3A_19 {offsets = [0, 0], sizes = [10000, 128], strides = [1, 1]} : vector<10240x128xbf16> to vector<10000x128xbf16>
    %convert_element_type3A_21 = arith.extf %slice3A_20 : vector<10000x128xbf16> to vector<10000x128xf32>
    %add3A = arith.addf %convert_element_type3A, %convert_element_type3A_21 : vector<10000x128xf32>
    %broadcast_in_dim3A_22 = vector.shape_cast %select_n3A : vector<10000xf32> to vector<10000x1xf32>
    %mul3A = vector.broadcast %broadcast_in_dim3A_22 : vector<10000x1xf32> to vector<10000x128xf32>
    %mul3A_23 = arith.mulf %add3A, %mul3A : vector<10000x128xf32>
    %get3A_24 = arith.constant 0 : index
    %get3A_25 = arith.constant 0 : index
    %get3A_26 = vector.load %arg3[%get3A_24, %get3A_25] : memref<256x128xf32, #tpu.memory_space<vmem>>, vector<256x128xf32>
    %dot_general3A = arith.constant dense<0.000000e+00> : vector<10000x256xf32>
    %dot_general3A_27 = tpu.matmul %mul3A_23, %get3A_26, %dot_general3A {dimension_numbers = #tpu.dot_dimension_numbers<[1], [1], [0], [0], [0, 0, 1, 0], [], []>, transpose_lhs_hint = false} : vector<10000x128xf32>, vector<256x128xf32>, vector<10000x256xf32> -> vector<10000x256xf32>
    %get3A_28 = arith.constant 0 : index
    %get3A_29 = arith.constant 0 : index
    %get3A_30 = vector.load %arg4[%get3A_28, %get3A_29] : memref<1x256xf32, #tpu.memory_space<vmem>>, vector<1x256xf32>
    %add3A_31 = vector.broadcast %get3A_30 : vector<1x256xf32> to vector<10000x256xf32>
    %add3A_32 = arith.addf %dot_general3A_27, %add3A_31 : vector<10000x256xf32>
    %get3A_33 = arith.constant 0 : index
    %get3A_34 = arith.constant 0 : index
    %get3A_35 = vector.load %arg0[%get3A_33, %get3A_34] : memref<10000x128xbf16, #tpu.memory_space<vmem>>, vector<10000x128xbf16>
    %convert_element_type3A_36 = arith.extf %get3A_35 : vector<10000x128xbf16> to vector<10000x128xf32>
    %get3A_37 = arith.constant 0 : index
    %get3A_38 = arith.constant 0 : index
    %get3A_39 = vector.load %arg5[%get3A_37, %get3A_38] : memref<256x128xf32, #tpu.memory_space<vmem>>, vector<256x128xf32>
    %dot_general3A_40 = arith.constant dense<0.000000e+00> : vector<10000x256xf32>
    %dot_general3A_41 = tpu.matmul %convert_element_type3A_36, %get3A_39, %dot_general3A_40 {dimension_numbers = #tpu.dot_dimension_numbers<[1], [1], [0], [0], [0, 0, 1, 0], [], []>, transpose_lhs_hint = false} : vector<10000x128xf32>, vector<256x128xf32>, vector<10000x256xf32> -> vector<10000x256xf32>
    %add3A_42 = arith.addf %add3A_32, %dot_general3A_41 : vector<10000x256xf32>
    %max3A_43 = arith.constant 0.000000e+00 : f32
    %max3A_44 = vector.broadcast %max3A_43 : f32 to vector<10000x256xf32>
    %max3A_45 = arith.maximumf %add3A_42, %max3A_44 : vector<10000x256xf32>
    %get3A_46 = arith.constant 0 : index
    %get3A_47 = arith.constant 0 : index
    %get3A_48 = vector.load %arg6[%get3A_46, %get3A_47] : memref<2x256xf32, #tpu.memory_space<vmem>>, vector<2x256xf32>
    %dot_general3A_49 = arith.constant dense<0.000000e+00> : vector<2x10000xf32>
    %dot_general3A_50 = tpu.matmul %get3A_48, %max3A_45, %dot_general3A_49 {dimension_numbers = #tpu.dot_dimension_numbers<[1], [1], [0], [0], [0, 0, 1, 0], [], []>, transpose_lhs_hint = false} : vector<2x256xf32>, vector<10000x256xf32>, vector<2x10000xf32> -> vector<2x10000xf32>
    %get3A_51 = arith.constant 0 : index
    %get3A_52 = arith.constant 0 : index
    %get3A_53 = vector.load %arg7[%get3A_51, %get3A_52] : memref<2x256xf32, #tpu.memory_space<vmem>>, vector<2x256xf32>
    %dot_general3A_54 = arith.constant dense<0.000000e+00> : vector<2x10000xf32>
    %dot_general3A_55 = tpu.matmul %get3A_53, %max3A_45, %dot_general3A_54 {dimension_numbers = #tpu.dot_dimension_numbers<[1], [1], [0], [0], [0, 0, 1, 0], [], []>, transpose_lhs_hint = false} : vector<2x256xf32>, vector<10000x256xf32>, vector<2x10000xf32> -> vector<2x10000xf32>
    %broadcast_in_dim3A_56 = vector.shape_cast %select_n3A : vector<10000xf32> to vector<1x10000xf32>
    %broadcast_in_dim3A_57 = arith.constant 0.000000e+00 : f32
    %broadcast_in_dim3A_58 = vector.broadcast %broadcast_in_dim3A_57 : f32 to vector<3x10000xf32>
    %concatenate3A = tpu.concatenate %dot_general3A_50, %broadcast_in_dim3A_56, %dot_general3A_55, %broadcast_in_dim3A_58 in 0 : vector<2x10000xf32>, vector<1x10000xf32>, vector<2x10000xf32>, vector<3x10000xf32> -> vector<8x10000xf32>
    %swap3A = arith.constant 0 : index
    %swap3A_59 = arith.constant 0 : index
    %swap3A_60 = vector.load %arg8[%swap3A, %swap3A_59] : memref<8x10000xf32, #tpu.memory_space<vmem>>, vector<8x10000xf32>
    tpu.vector_store %arg8[%swap3A, %swap3A_59], %concatenate3A {strides = array<i32>} : memref<8x10000xf32, #tpu.memory_space<vmem>>, vector<8x10000xf32>,
    return
  }
}

module attributes {stable_mosaic.version = 14 : i64} {
  func.func @_tc2_body(%arg0: memref<64x10000xf32, #tpu.memory_space<vmem>>, %arg1: memref<8x10000xf32, #tpu.memory_space<vmem>>, %arg2: memref<1x2xf32, #tpu.memory_space<vmem>>, %arg3: memref<2x10000xf32, #tpu.memory_space<vmem>>) attributes {dimension_semantics = [], scalar_prefetch = 0 : i64, scratch_operands = 0 : i64, tpu.core_type = #tpu.core_type<tc>} {
    %get3A = arith.constant 0 : index
    %get3A_0 = arith.constant 0 : index
    %get3A_1 = vector.load %arg0[%get3A, %get3A_0] : memref<64x10000xf32, #tpu.memory_space<vmem>>, vector<64x10000xf32>
    %slice3A = vector.extract_strided_slice %get3A_1 {offsets = [0, 0], sizes = [32, 10000], strides = [1, 1]} : vector<64x10000xf32> to vector<32x10000xf32>
    %reduce_sum3A = arith.constant dense<0.000000e+00> : vector<10000xf32>
    %reduce_sum3A_2 = vector.multi_reduction <add>, %slice3A, %reduce_sum3A [0] : vector<32x10000xf32> to vector<10000xf32>
    %slice3A_3 = vector.extract_strided_slice %get3A_1 {offsets = [32, 0], sizes = [32, 10000], strides = [1, 1]} : vector<64x10000xf32> to vector<32x10000xf32>
    %reduce_sum3A_4 = arith.constant dense<0.000000e+00> : vector<10000xf32>
    %reduce_sum3A_5 = vector.multi_reduction <add>, %slice3A_3, %reduce_sum3A_4 [0] : vector<32x10000xf32> to vector<10000xf32>
    %get3A_6 = arith.constant 2 : index
    %get3A_7 = arith.constant 0 : index
    %get3A_8 = vector.load %arg1[%get3A_6, %get3A_7] : memref<8x10000xf32, #tpu.memory_space<vmem>>, vector<1x10000xf32>
    %get3A_9 = vector.shape_cast %get3A_8 : vector<1x10000xf32> to vector<10000xf32>
    %mul3A = arith.mulf %reduce_sum3A_2, %get3A_9 : vector<10000xf32>
    %get3A_10 = arith.constant 0 : index
    %get3A_11 = arith.constant 0 : index
    %get3A_12 = vector.load %arg2[%get3A_10, %get3A_11] : memref<1x2xf32, #tpu.memory_space<vmem>>, vector<1x1xf32>
    %get3A_13 = vector.extract %get3A_12[0, 0] : f32 from vector<1x1xf32>
    %add3A = vector.broadcast %get3A_13 : f32 to vector<10000xf32>
    %add3A_14 = arith.addf %mul3A, %add3A : vector<10000xf32>
    %get3A_15 = arith.constant 3 : index
    %get3A_16 = arith.constant 0 : index
    %get3A_17 = vector.load %arg1[%get3A_15, %get3A_16] : memref<8x10000xf32, #tpu.memory_space<vmem>>, vector<1x10000xf32>
    %get3A_18 = vector.shape_cast %get3A_17 : vector<1x10000xf32> to vector<10000xf32>
    %add3A_19 = arith.addf %add3A_14, %get3A_18 : vector<10000xf32>
    %mul3A_20 = arith.mulf %reduce_sum3A_5, %get3A_9 : vector<10000xf32>
    %get3A_21 = arith.constant 0 : index
    %get3A_22 = arith.constant 1 : index
    %get3A_23 = vector.load %arg2[%get3A_21, %get3A_22] : memref<1x2xf32, #tpu.memory_space<vmem>>, vector<1x1xf32>
    %get3A_24 = vector.extract %get3A_23[0, 0] : f32 from vector<1x1xf32>
    %add3A_25 = vector.broadcast %get3A_24 : f32 to vector<10000xf32>
    %add3A_26 = arith.addf %mul3A_20, %add3A_25 : vector<10000xf32>
    %get3A_27 = arith.constant 4 : index
    %get3A_28 = arith.constant 0 : index
    %get3A_29 = vector.load %arg1[%get3A_27, %get3A_28] : memref<8x10000xf32, #tpu.memory_space<vmem>>, vector<1x10000xf32>
    %get3A_30 = vector.shape_cast %get3A_29 : vector<1x10000xf32> to vector<10000xf32>
    %add3A_31 = arith.addf %add3A_26, %get3A_30 : vector<10000xf32>
    %max3A = arith.maximumf %add3A_19, %add3A_31 : vector<10000xf32>
    %sub3A = arith.subf %add3A_19, %max3A : vector<10000xf32>
    %exp3A = math.exp %sub3A : vector<10000xf32>
    %sub3A_32 = arith.subf %add3A_31, %max3A : vector<10000xf32>
    %exp3A_33 = math.exp %sub3A_32 : vector<10000xf32>
    %add3A_34 = arith.addf %exp3A, %exp3A_33 : vector<10000xf32>
    %log3A = math.log %add3A_34 : vector<10000xf32>
    %add3A_35 = arith.addf %max3A, %log3A : vector<10000xf32>
    %sub3A_36 = arith.subf %add3A_19, %add3A_35 : vector<10000xf32>
    %broadcast_in_dim3A = vector.shape_cast %sub3A_36 : vector<10000xf32> to vector<1x10000xf32>
    %sub3A_37 = arith.subf %add3A_31, %add3A_35 : vector<10000xf32>
    %broadcast_in_dim3A_38 = vector.shape_cast %sub3A_37 : vector<10000xf32> to vector<1x10000xf32>
    %concatenate3A = tpu.concatenate %broadcast_in_dim3A, %broadcast_in_dim3A_38 in 0 : vector<1x10000xf32>, vector<1x10000xf32> -> vector<2x10000xf32>
    %swap3A = arith.constant 0 : index
    %swap3A_39 = arith.constant 0 : index
    %swap3A_40 = vector.load %arg3[%swap3A, %swap3A_39] : memref<2x10000xf32, #tpu.memory_space<vmem>>, vector<2x10000xf32>
    tpu.vector_store %arg3[%swap3A, %swap3A_39], %concatenate3A {strides = array<i32>} : memref<2x10000xf32, #tpu.memory_space<vmem>>, vector<2x10000xf32>,
    return
  }
}

</mosaic_0001>

<sc_bundles>
// kernel: kernel.6.cloned.1.call-start
scs
__scs_entry_jumppad:
0x0: {  	(pc) =	sbr.rel $0x88, $3  }
0x1: {  	(tag) =	ssettag $0x0;
	lr =	simm.s32 $0x1  }
0x2: {  	[smem:$0x3F99] =	sst lr;
	_ =	strace $0xD0000000  }
0x3: {  	_ = 	snop  }
0x4: {  	_ = 	snop  }
0x5: {  	_ = 	snop  }
0x6: {  	_ = 	snop  }
0x7: {  	_ = 	snop  }
__scs_overlays_trampoline_lowered:
0x8: {  	[smem:$0x3FA8] =	sst s0  }
0x9: {  	[smem:$0x3FA9] =	sst s1  }
0xa: {  	[smem:$0x3FAA] =	sst s2  }
0xb: {  	[smem:$0x3FAB] =	sst s3  }
0xc: {  	[smem:$0x3FAC] =	sst s4  }
0xd: {  	[smem:$0x3FAD] =	sst s5  }
0xe: {  	[smem:$0x3FAE] =	sst s6  }
0xf: {  	[smem:$0x3FAF] =	sst s7  }
0x10: {  	[smem:$0x3FB0] =	sst s8  }
0x11: {  	[smem:$0x3FB1] =	sst s9;
	s0 =	simm.s32 @!p0 $0x0  }
0x12: {  	s1 =	sld [smem:$0x3F97];
	s0 =	simm.s32 @p0 $0x1  }
0x13: {  	[smem:$0x3FB2] =	sst s0;
	s0 =	simm.s32 @!p1 $0x0  }
0x14: {  	s2 =	sld [smem:$0x3F96];
	s0 =	simm.s32 @p1 $0x1  }
0x15: {  	[smem:$0x3FB3] =	sst s0;
	s0 =	simm.s32 @!p2 $0x0  }
0x16: {  	s3 =	sld [smem:$0x3FDB];
	s0 =	simm.s32 @p2 $0x1  }
0x17: {  	s4 =	simm.s32 $0x1BF5;
	[smem:$0x3FB5] =	sst s0  }
0x18: {  	s0 =	sld [smem:$0x3F98];
	_ =	swait.ge [sflag:s4], $0x0  }
0x19: {  	s7 =	sld [smem:$0x3F99]  }
0x1a: {  	s8 =	sadd.s32 $0xFFFFE003, lr  }
0x1b: {  	s9 =	sadd.s32 $0xFFFFFEF7, lr;
	s5 =	simm.s32 $0xFFFFFFFF;
	p2 =	slt.u32 s8, $0xFFFFF086  }
0x1c: {  	p1 =	slt.u32 s9, $0xF7A;
	s5 =	simm.s32 @!p2 $0x0  }
0x1d: {  	s5 =	simm.s32 @p1 $0x1;
	p0 =	seq.s32 s7, s2  }
0x1e: {  	s7 =	smul.u32 @!p0 $0xF7A, s2;
	p2 =	seq.s32 @!p0 s5, $0x0  }
0x1f: {  	s9 =	smul.u32 $0xF7A, s1;
	s8 =	simm.s32 @!p0 $0x1BF5;
	p2 =	por !p2, p0  }
0x20: {  	[sflag:s8] =	ssyncset.s32 @!p0 $0xFFFFF086;
	s6 =	sadd.s32 @!p0 s3, s7;
	s7 =	simm.s32 @!p0 $0x108  }
0x21: {  	s3 =	sadd.s32 s3, s9;
	s6 =	sadd.s32 @!p0 $0x88, s6;
	s7 =	simm.s32 @p2 $0x1082  }
0x22: {  	[simem:s7], [sflag:s8] =	dma.local @!p0 [hbm:s6], $0xF7A  }
0x23: {  	s9 =	sor.u32 $0xD0000000, s2;
	s6 =	simm.s32 $0x108;
	_ =	swait.ge @!p0 [sflag:s8], $0x0  }
0x24: {  	s3 =	sadd.s32 $0x88, s3;
	s6 =	simm.s32 @!p1 $0x1082;
	[sflag:s4] =	ssyncset.s32 $0xFFFFF086  }
0x25: {  	[simem:s6], [sflag:s4] =	dma.local [hbm:s3], $0xF7A  }
0x26: {  	[smem:$0x3F99] =	sst s1;
	(tag) =	ssettag s2;
	_ =	strace s9  }
0x27: {  	s1 =	sld [smem:$0x3FA9]  }
0x28: {  	s2 =	sld [smem:$0x3FAA]  }
0x29: {  	s4 =	sld [smem:$0x3FAC]  }
0x2a: {  	p0 =	seq.s32 s5, $0x0;
	s5 =	sld [smem:$0x3FAD]  }
0x2b: {  	s6 =	sld [smem:$0x3FAE]  }
0x2c: {  	s7 =	sld [smem:$0x3FAF]  }
0x2d: {  	s3 =	simm.s32 $0x108;
	s8 =	sld [smem:$0x3FB0]  }
0x2e: {  	s3 =	simm.s32 @!p0 $0x1082;
	s9 =	sld [smem:$0x3FB1]  }
0x2f: {  	lr =	sadd.s32 s0, s3;
	s0 =	sld [smem:$0x3FA8]  }
0x30: {  	s3 =	sld [smem:$0x3FAB]  }
0x31: {  	[smem:$0x3FB4] =	sst s10  }
0x32: {  	s10 =	sld [smem:$0x3FB2];
	_ =	sdelay $0x3  }
0x33: {  	p0 =	seq.s32 s10, $0x1;
	s10 =	sld [smem:$0x3FB4];
	_ =	sdelay $0x3  }
0x34: {  	[smem:$0x3FB4] =	sst s10  }
0x35: {  	s10 =	sld [smem:$0x3FB3];
	_ =	sdelay $0x3  }
0x36: {  	p1 =	seq.s32 s10, $0x1;
	s10 =	sld [smem:$0x3FB4];
	_ =	sdelay $0x3  }
0x37: {  	[smem:$0x3FB4] =	sst s10  }
0x38: {  	s10 =	sld [smem:$0x3FB5]  }
0x39: {  	_ = 	snop;
	(pc) =	sbr.ind lr, $3  }
0x3a: {  	_ = 	snop  }
0x3b: {  	_ = 	snop  }
0x3c: {  	p2 =	seq.s32 s10, $0x1;
	s10 =	sld [smem:$0x3FB4]  }
0x3d: {  	_ =	shalt  }
0x3e: {  	_ =	shalt  }
0x3f: {  	_ =	shalt  }
0x40: {  	_ =	shalt  }
0x41: {  	_ =	shalt  }
0x42: {  	_ =	shalt  }
0x43: {  	_ =	shalt  }
0x44: {  	_ =	shalt  }
0x45: {  	_ =	shalt  }
0x46: {  	_ =	shalt  }
0x47: {  	_ =	shalt  }
0x48: {  	_ =	shalt  }
0x49: {  	_ =	shalt  }
0x4a: {  	_ =	shalt  }
0x4b: {  	_ =	shalt  }
0x4c: {  	_ =	shalt  }
0x4d: {  	_ =	shalt  }
0x4e: {  	_ =	shalt  }
0x4f: {  	_ =	shalt  }
0x50: {  	_ =	shalt  }
0x51: {  	_ =	shalt  }
0x52: {  	_ =	shalt  }
0x53: {  	_ =	shalt  }
0x54: {  	_ =	shalt  }
0x55: {  	_ =	shalt  }
0x56: {  	_ =	shalt  }
0x57: {  	_ =	shalt  }
0x58: {  	_ =	shalt  }
0x59: {  	_ =	shalt  }
0x5a: {  	_ =	shalt  }
0x5b: {  	_ =	shalt  }
0x5c: {  	_ =	shalt  }
0x5d: {  	_ =	shalt  }
0x5e: {  	_ =	shalt  }
0x5f: {  	_ =	shalt  }
0x60: {  	_ =	shalt  }
0x61: {  	_ =	shalt  }
0x62: {  	_ =	shalt  }
0x63: {  	_ =	shalt  }
0x64: {  	_ =	shalt  }
0x65: {  	_ =	shalt  }
0x66: {  	_ =	shalt  }
0x67: {  	_ =	shalt  }
0x68: {  	_ =	shalt  }
0x69: {  	_ =	shalt  }
0x6a: {  	_ =	shalt  }
0x6b: {  	_ =	shalt  }
0x6c: {  	_ =	shalt  }
0x6d: {  	_ =	shalt  }
0x6e: {  	_ =	shalt  }
0x6f: {  	_ =	shalt  }
0x70: {  	_ =	shalt  }
0x71: {  	_ =	shalt  }
0x72: {  	_ =	shalt  }
0x73: {  	_ =	shalt  }
0x74: {  	_ =	shalt  }
0x75: {  	_ =	shalt  }
0x76: {  	_ =	shalt  }
0x77: {  	_ =	shalt  }
0x78: {  	_ =	shalt  }
0x79: {  	_ =	shalt  }
0x7a: {  	_ =	shalt  }
0x7b: {  	_ =	shalt  }
0x7c: {  	_ =	shalt  }
0x7d: {  	_ =	shalt  }
0x7e: {  	_ =	shalt  }
0x7f: {  	_ =	shalt  }
0x80: {  	_ =	shalt  }
0x81: {  	_ =	shalt  }
0x82: {  	_ =	shalt  }
0x83: {  	_ =	shalt  }
0x84: {  	_ =	shalt  }
0x85: {  	_ =	shalt  }
0x86: {  	_ =	shalt  }
0x87: {  	_ =	shalt  }
.Lfunc_end0:
.L_simem_size_0:
called_computation_lowered:
.L_overlay_start_0:
0x88: {  	s2 =	sld [smem:$0x3FD9]  }
0x89: {  	s3 =	sld [smem:$0x3FFE];
	_ =	sdelay $0x1  }
0x8a: {  	s1 =	srdreg.scid  }
0x8b: {  	s0 =	sand.u32 $0x1, s1  }
0x8c: {  	s17 =	sshll.u32 s0, $0xA;
	s2 =	sadd.s32 s3, s2  }
0x8d: {  	s2 =	sadd.s32 s2, s17  }
0x8e: {  	[smem:$0x3FC0] =	sst s2  }
0x8f: {  	_ = 	snop  }
0x90: {  	s2 =	sld [smem:$0x3FD0];
	(tm) =	ssettm $0x1  }
0x91: {  	s18 =	sld [smem:$0x3FFB];
	_ =	sdelay $0x3  }
0x92: {  	_ =	strace s18  }
0x93: {  	s3 =	sld [smem:$0x3FFC];
	_ =	sdelay $0x3  }
0x94: {  	_ =	strace s3  }
0x95: {  	s3 =	sld [smem:$0x3FFD];
	_ =	sdelay $0x3  }
0x96: {  	_ =	strace s3  }
0x97: {  	_ =	strace $0x8FFFFFFF  }
0x98: {  	s19 =	sld [smem:$0x3FDB];
	_ =	sdelay $0x1  }
0x99: {  	s4 =	simm.s32 $_scs_section_size  }
0x9a: {  	s5 =	simm.s32 $_size__tile_overlayer_lowered;
	s6 =	simm.s32 $_tile_overlayer_lowered  }
0x9b: {  	s22 =	simm.s32 $0x1BFF;
	s21 =	sshll.u32 s6, $0x1;
	s3 =	sadd.s32 s4, s19  }
0x9c: {  	s7 =	simm.s32 $0x0;
	s20 =	sshll.u32 s5, $0x1;
	s5 =	sadd.s32 s21, s3  }
0x9d: {  	[timem:s7], [sflag:s22] =	dma.local [hbm:s5], s20  }
0x9e: {  	_ =	swait.ge [sflag:s22], s20  }
0x9f: {  	s4 =	ssub.s32 $0x0, s20;
	[sflag:s22] =	ssyncset.done $0x0  }
0xa0: {  	[sflag:s22] =	ssyncadd.s32 s4;
	_ =	sdelay $0x1  }
0xa1: {  	s23 =	simm.s32 $0x1B8B  }
0xa2: {  	_ =	swait.ge [sflag:s23], $0x1  }
0xa3: {  	[sflag:s23] =	ssyncset.done $0x0  }
0xa4: {  	s25 =	simm.s32 $0x1B8E;
	s24 =	sld [smem:$0x3FFE];
	[sflag:s23] =	ssyncadd.s32 $0xFFFFFFFF  }
0xa5: {  	s26 =	simm.s32 $execute0_lowered;
	[smem:$0x3FD2] =	sst s25  }
0xa6: {  	s5 =	sshll.u32 s26, $0x1;
	_ =	strace $0x80000046;
	[dreg:$0x1] =	wrdreg $0xFFFFFFFF  }
0xa7: {  	s28 =	simm.s32 $_size_execute0_lowered;
	s3 =	sadd.s32 s3, s5;
	[dreg:$0x0] =	wrdreg $0x0  }
0xa8: {  	s5 =	sshll.u32 s28, $0x1;
	[dreg:$0x2] =	wrdreg s3  }
0xa9: {  	[dreg:$0x3] =	wrdreg s5  }
0xaa: {  	[dreg:$0x4] =	wrdreg $0xC0  }
0xab: {  	_ =	task [dreg:s7], $0x5FFFF  }
0xac: {  	[dreg:$0x1] =	wrdreg $0xFFFFFFFF  }
0xad: {  	[dreg:$0x0] =	wrdreg $0x60  }
0xae: {  	[dreg:$0x2] =	wrdreg s24  }
0xaf: {  	[dreg:$0x3] =	wrdreg s2  }
0xb0: {  	[dreg:$0x4] =	wrdreg $0xBE200  }
0xb1: {  	[dreg:$0x5] =	wrdreg $0x9  }
0xb2: {  	_ =	task.clear_ibuf [dreg:s7], $0x6FFFF;
	_ =	strace $0x90000046  }
0xb3: {  	s29 =	simm.s32 $0x9;
	_ =	strace $0x80000048  }
0xb4: {  	_ =	swait.ge [sflag:s29], $0x1  }
0xb5: {  	[sflag:s29] =	ssyncadd.s32 $0xFFFFFFFF  }
0xb6: {  	_ =	strace $0x90000048  }
0xb7: {  	_ =	sfence  }
0xb8: {  	s30 =	sld [smem:$0x0];
	_ =	sdelay $0x2  }
0xb9: {  	s31 =	sshll.u32 s1, $0xD;
	s1 =	sshrl.u32 s1, $0x2  }
0xba: {  	s3 =	sand.u32 $0x4000, s31;
	s1 =	sadd.s32 s1, s30  }
0xbb: {  	s0 =	sor.u32 s3, s0;
	s1 =	sshll.u32 s1, $0x11  }
0xbc: {  	s0 =	sor.u32 s1, s0  }
0xbd: {  	s0 =	sadd.s32 $0x8F2B, s0  }
0xbe: {  	[sflag:s0] =	ssyncadd.remote.s32 $0x1  }
0xbf: {  	_ =	sfence.sel $0xFFFF  }
0xc0: {  	[dreg:$0x0] =	wrdreg $0xFFFFFFFF;
	(pc) =	sbr.abs _section_cstart, $3  }
0xc1: {  	[dreg:$0x1] =	wrdreg $0xFFFFFFFF  }
0xc2: {  	_ =	task.clear_ibuf [dreg:s7], $0x2FFFF;
	_ =	strace $0x9FFFFFFF  }
0xc3: {  	(tm) =	ssettm $0x7FFFFFFF  }
tec
execute0_lowered:
.L_overlay_start_1:
0x0: {  	(tag) =	ssettag $0x1  }
0x1: {  	s6 =	rddreg [dreg:$0x0]  }
0x2: {  	s1 =	rddreg [dreg:$0x1]  }
0x3: {  	s2 =	rddreg [dreg:$0x2]  }
0x4: {  	s3 =	srdreg.scid;
	s0 =	rddreg [dreg:$0x3];
	s4 =	simm.s32 $0x0  }
0x5: {  	s14 =	simm.s32 $0x3;
	s18 =	simm.s32 $0x50;
	s19 =	simm.s32 $0x4E20  }
0x6: {  	s20 =	simm.s32 $0x1;
	s21 =	simm.s32 $0x6220;
	s7 =	sand.u32 $0x1, s3  }
0x7: {  	s22 =	simm.s32 $0x7620;
	s26 =	simm.s32 $0x4DD0;
	s8 =	smul.u32 $0x4E20, s7  }
0x8: {  	s28 =	simm.s32 $0x0;
	s3 =	stileid.u32;
	s9 =	smul.u32 $0x14000, s7  }
0x9: {  	[smem:$0x7FF] =	sst s4;
	s5 =	sshll.u32 s7, $0x4;
	s11 =	smul.u32 $0x28000, s3  }
0xa: {  	_ =	strace $0x80000047;
	s30 =	ssub.s32 $0x2, s7;
	s12 =	smul.u32 $0x14000, s3  }
0xb: {  	s16 =	smul.u32 $0x4E2, s3;
	s5 =	sor.u32 s3, s5;
	s7 =	sshrl.u32 s30, $0x1  }
0xc: {  	s10 =	smul.u32 $0x500, s5;
	s5 =	sadd.s32 $0x14600, s6;
	s8 =	sadd.s32 s8, s6  }
0xd: {  	s9 =	sadd.s32 s9, s6;
	s11 =	sshrl.u32 s11, $0x2;
	s13 =	ssub.s32 s30, s7  }
0xe: {  	s31 =	sshrl.u32 s12, $0x1;
	s24 =	sshrl.u32 s12, $0x4;
	s15 =	sadd.s32 $0xA800, s8  }
0xf: {  	s17 =	sadd.s32 $0xA00, s8;
	s23 =	sadd.s32 $0x28000, s9;
	s25 =	sadd.s32 s31, s2  }
0x10: {  	s8 =	smax.u32 s13, $0x1;
	s13 =	simm.s32 $0x9E20;
	s10 =	sadd.s32 s10, s6  }
0x11: {  	s6 =	sadd.s32 s11, s2;
	s15 =	sadd.s32 s16, s15;
	s16 =	sadd.s32 s16, s17  }
0x12: {  	s17 =	simm.s32 $0x2710;
	s23 =	sadd.s32 s24, s23;
	s24 =	simm.s32 $0x2  }
0x13: {  	s25 =	sshrl.u32 s25, $0x3;
	s7 =	sadd.s32 $0x50000, s10;
	s9 =	sadd.s32 $0x2000, s6  }
0x14: {  	v0 =	vimm.f32 $0.0e+00;
	v1 =	vimm.f32 $1.000000000e+00;
	s10 =	sadd.s32 $0x4000, s6;
	s11 =	sadd.s32 $0x6000, s6;
	s12 =	sadd.s32 $0x8000, s6  }
.LBB2_1:
0x15: {  	[tilespmem:s13], [sflag:$0x3] =	stream.linear.gather [hbm4b:s1+s4], $0x2000, $0x38;
	[tilespmem:$0x15E20] =	vst v63  }
0x16: {  	_ =	swait.ge [sflag:s14], $0x2000  }
0x17: {  	[sflag:s14] =	ssyncset.done $0x0  }
0x18: {  	s29 =	simm.s32 $0x40;
	s30 =	simm.s32 $0x0;
	[sflag:s14] =	ssyncadd.s32 $0xFFFFE000  }
.LBB2_2:
0x19: {  	p0 =	sne.s32 s29, $0x9FC0;
	[tilespmem:s30+$0x7620] =	vst v0;
	s30 =	smov.u32 s29;
	s29 =	sadd.s32 $0x40, s29  }
.Ltmp0:
0x1a: {  	(pc) =	sbr.rel @p0 .LBB2_2-.Ltmp0, $2  }
0x1b: {  	_ =	sdelay $0x2  }
0x1c: {  	s30 =	sshra.s32 s30, $0x2  }
0x1d: {  	[tilespmem:s30+$0x7620] =	vst v0  }
0x1e: {  	[spmem:s6] =	stream.linear.scatter [tilespmem:s13], [sflag:$0x3], $0x2000, $0x38;
	[tilespmem:$0x15E20] =	vst v63  }
0x1f: {  	_ =	swait.ge [sflag:s14], $0x2000  }
0x20: {  	[sflag:s14] =	ssyncset.done $0x0  }
0x21: {  	[sflag:s14] =	ssyncadd.s32 $0xFFFFE000  }
0x22: {  	[spmem:s9] =	stream.linear.scatter [tilespmem:s13], [sflag:$0x3], $0x2000, $0x38;
	[tilespmem:$0x15E20] =	vst v63  }
0x23: {  	_ =	swait.ge [sflag:s14], $0x2000  }
0x24: {  	[sflag:s14] =	ssyncset.done $0x0  }
0x25: {  	[sflag:s14] =	ssyncadd.s32 $0xFFFFE000  }
0x26: {  	[spmem:s10] =	stream.linear.scatter [tilespmem:s13], [sflag:$0x3], $0x2000, $0x38;
	[tilespmem:$0x15E20] =	vst v63  }
0x27: {  	_ =	swait.ge [sflag:s14], $0x2000  }
0x28: {  	[sflag:s14] =	ssyncset.done $0x0  }
0x29: {  	[sflag:s14] =	ssyncadd.s32 $0xFFFFE000  }
0x2a: {  	[spmem:s11] =	stream.linear.scatter [tilespmem:s13], [sflag:$0x3], $0x2000, $0x38;
	[tilespmem:$0x15E20] =	vst v63  }
0x2b: {  	_ =	swait.ge [sflag:s14], $0x2000  }
0x2c: {  	[sflag:s14] =	ssyncset.done $0x0  }
0x2d: {  	[sflag:s14] =	ssyncadd.s32 $0xFFFFE000  }
0x2e: {  	[spmem:s12] =	stream.linear.scatter [tilespmem:s13], [sflag:$0x3], $0x2000, $0x38;
	[tilespmem:$0x15E20] =	vst v63  }
0x2f: {  	_ =	swait.ge [sflag:s14], $0x2000  }
0x30: {  	[sflag:s14] =	ssyncset.done $0x0  }
0x31: {  	[sflag:s14] =	ssyncadd.s32 $0xFFFFE000  }
0x32: {  	s29 =	simm.s32 $0x0;
	[bflag:$0x0] =	sbarrier.arrive $0xFFFF  }
0x33: {  	[tilespmem:s29], [sflag:$0x3] =	stream.linear.gather [hbm4b:s15+s29], $0x2710, $0x38;
	[tilespmem:$0x15E20] =	vst v63  }
0x34: {  	_ =	swait.ge [sflag:s14], $0x2710  }
0x35: {  	[sflag:s14] =	ssyncset.done $0x0  }
0x36: {  	[sflag:s14] =	ssyncadd.s32 $0xFFFFD8F0  }
0x37: {  	[tilespmem:s17], [sflag:$0x3] =	stream.linear.gather [hbm4b:s16+s29], $0x2710, $0x38;
	[tilespmem:$0x15E20] =	vst v63  }
0x38: {  	_ =	swait.ge [sflag:s14], $0x2710  }
0x39: {  	[sflag:s14] =	ssyncset.done $0x0  }
0x3a: {  	[sflag:s14] =	ssyncadd.s32 $0xFFFFD8F0  }
0x3b: {  	[tilespmem:s19], [sflag:$0x1] =	stream.indirect.gather [hbm4b:s5+s18], $0x40, s29, s18, $0xb8;
	[tilespmem:$0x15E20] =	vst v63  }
.LBB2_4:
0x3c: {  	_ =	swait.ge [sflag:s20], $0x1400  }
0x3d: {  	s30 =	sshra.s32 s29, $0x2;
	[sflag:s20] =	ssyncset.done $0x0  }
0x3e: {  	s31 =	sadd.s32 $0x50, s30;
	[sflag:s20] =	ssyncadd.s32 $0xFFFFEC00  }
0x3f: {  	[tilespmem:s21], [sflag:$0x2] =	stream.indirect.gather [hbm4b:s5+s18], $0x40, s31, s18, $0xb8;
	[tilespmem:$0x15E20] =	vst v63  }
0x40: {  	s31 =	sadd.s32 $0x2710, s30  }
0x41: {  	[spmem:s2] =	stream.indirect.scatter.add.bf16 [tilespmem:s19], [sflag:$0x3], $0x40, s31, s18, $0xb8;
	[tilespmem:$0x15E20] =	vst v63  }
0x42: {  	_ =	swait.ge [sflag:s14], $0x1400  }
0x43: {  	[sflag:s14] =	ssyncset.done $0x0  }
0x44: {  	[sflag:s14] =	ssyncadd.s32 $0xFFFFEC00  }
0x45: {  	v2 =	vld [tilespmem:s30+$0x2710];
	_ =	sdelay $0x7  }
0x46: {  	[tilespmem:v2+s22+$0x0] =	vst.idx.add.f32.msk $0xffff, v1  }
0x47: {  	v2 =	vld [tilespmem:s30+$0x2720];
	_ =	sdelay $0x7  }
0x48: {  	[tilespmem:v2+s22+$0x0] =	vst.idx.add.f32.msk $0xffff, v1  }
0x49: {  	v2 =	vld [tilespmem:s30+$0x2730];
	_ =	sdelay $0x7  }
0x4a: {  	[tilespmem:v2+s22+$0x0] =	vst.idx.add.f32.msk $0xffff, v1  }
0x4b: {  	v2 =	vld [tilespmem:s30+$0x2740];
	_ =	sdelay $0x7  }
0x4c: {  	[tilespmem:v2+s22+$0x0] =	vst.idx.add.f32.msk $0xffff, v1  }
0x4d: {  	v2 =	vld [tilespmem:s30+$0x2750];
	_ =	sdelay $0x7  }
0x4e: {  	[tilespmem:v2+s22+$0x0] =	vst.idx.add.f32.msk $0xffff, v1  }
0x4f: {  	_ =	swait.ge [sflag:s24], $0x1400  }
0x50: {  	[sflag:s24] =	ssyncset.done $0x0  }
0x51: {  	s31 =	sadd.s32 $0xA0, s30;
	[sflag:s24] =	ssyncadd.s32 $0xFFFFEC00  }
0x52: {  	[tilespmem:s19], [sflag:$0x1] =	stream.indirect.gather [hbm4b:s5+s18], $0x40, s31, s18, $0xb8;
	[tilespmem:$0x15E20] =	vst v63  }
0x53: {  	s31 =	sadd.s32 $0x2760, s30  }
0x54: {  	[spmem:s2] =	stream.indirect.scatter.add.bf16 [tilespmem:s21], [sflag:$0x3], $0x40, s31, s18, $0xb8;
	[tilespmem:$0x15E20] =	vst v63  }
0x55: {  	_ =	swait.ge [sflag:s14], $0x1400  }
0x56: {  	[sflag:s14] =	ssyncset.done $0x0  }
0x57: {  	[sflag:s14] =	ssyncadd.s32 $0xFFFFEC00  }
0x58: {  	v2 =	vld [tilespmem:s30+$0x2760];
	_ =	sdelay $0x7  }
0x59: {  	[tilespmem:v2+s22+$0x0] =	vst.idx.add.f32.msk $0xffff, v1  }
0x5a: {  	v2 =	vld [tilespmem:s30+$0x2770];
	_ =	sdelay $0x7  }
0x5b: {  	[tilespmem:v2+s22+$0x0] =	vst.idx.add.f32.msk $0xffff, v1  }
0x5c: {  	v2 =	vld [tilespmem:s30+$0x2780];
	_ =	sdelay $0x7  }
0x5d: {  	[tilespmem:v2+s22+$0x0] =	vst.idx.add.f32.msk $0xffff, v1  }
0x5e: {  	v2 =	vld [tilespmem:s30+$0x2790];
	_ =	sdelay $0x7  }
0x5f: {  	[tilespmem:v2+s22+$0x0] =	vst.idx.add.f32.msk $0xffff, v1  }
0x60: {  	v2 =	vld [tilespmem:s30+$0x27A0];
	_ =	sdelay $0x2  }
0x61: {  	p0 =	sne.s32 s29, $0x9880  }
.Ltmp1:
0x62: {  	_ = 	snop;
	(pc) =	sbr.rel @p0 .LBB2_4-.Ltmp1, $2  }
0x63: {  	_ =	sdelay $0x2  }
0x64: {  	s29 =	sadd.s32 $0x280, s29;
	[tilespmem:v2+s22+$0x0] =	vst.idx.add.f32.msk $0xffff, v1  }
0x65: {  	_ =	swait.ge [sflag:s20], $0x1400  }
0x66: {  	[sflag:s20] =	ssyncset.done $0x0  }
0x67: {  	[sflag:s20] =	ssyncadd.s32 $0xFFFFEC00  }
0x68: {  	[spmem:s2] =	stream.indirect.scatter.add.bf16 [tilespmem:s19], [sflag:$0x3], $0x40, s26, s18, $0xb8;
	[tilespmem:$0x15E20] =	vst v63  }
0x69: {  	_ =	swait.ge [sflag:s14], $0x1400  }
0x6a: {  	[sflag:s14] =	ssyncset.done $0x0  }
0x6b: {  	[sflag:s14] =	ssyncadd.s32 $0xFFFFEC00  }
0x6c: {  	v2 =	vld [tilespmem:$0x4DD0];
	_ =	sdelay $0x7  }
0x6d: {  	[tilespmem:v2+s22+$0x0] =	vst.idx.add.f32.msk $0xffff, v1  }
0x6e: {  	v2 =	vld [tilespmem:$0x4DE0];
	_ =	sdelay $0x7  }
0x6f: {  	[tilespmem:v2+s22+$0x0] =	vst.idx.add.f32.msk $0xffff, v1  }
0x70: {  	v2 =	vld [tilespmem:$0x4DF0];
	_ =	sdelay $0x7  }
0x71: {  	[tilespmem:v2+s22+$0x0] =	vst.idx.add.f32.msk $0xffff, v1  }
0x72: {  	v2 =	vld [tilespmem:$0x4E00];
	_ =	sdelay $0x7  }
0x73: {  	[tilespmem:v2+s22+$0x0] =	vst.idx.add.f32.msk $0xffff, v1  }
0x74: {  	v2 =	vld [tilespmem:$0x4E10];
	_ =	sdelay $0x7  }
0x75: {  	s29 =	sshll.u32 s3, $0x6;
	[tilespmem:v2+s22+$0x0] =	vst.idx.add.f32.msk $0xffff, v1  }
0x76: {  	s29 =	sor.u32 $0x1C03, s29;
	[bflag:$0x0] =	sbarrier.arrive $0xFFFF  }
0x77: {  	[hbm:s23], [sflag:s29] =	dma.local [spmem:s25], $0x1400  }
0x78: {  	s28 =	sadd.s32 $0x1, s28;
	_ =	swait.ge [sflag:s14], $0x1400  }
0x79: {  	p0 =	sne.s32 s28, s8;
	[sflag:s14] =	ssyncset.done $0x0  }
.Ltmp2:
0x7a: {  	[sflag:s14] =	ssyncadd.s32 $0xFFFFEC00;
	(pc) =	sbr.rel @p0 .LBB2_1-.Ltmp2, $4  }
0x7b: {  	[hbm4b:s7+s4] =	stream.linear.scatter [tilespmem:s22], [sflag:$0x3], $0x2800, $0x38;
	[tilespmem:$0x15E20] =	vst v63  }
0x7c: {  	_ =	swait.ge [sflag:s14], $0x2800  }
0x7d: {  	[sflag:s14] =	ssyncset.done $0x0  }
0x7e: {  	[sflag:s14] =	ssyncadd.s32 $0xFFFFD800  }
0x7f: {  	_ =	sfence.sel $0x180000  }
0x80: {  	[bflag:$0x0] =	sbarrier.arrive $0xFFFF  }
0x81: {  	p0 =	sne.s32 s3, $0x0;
	_ =	strace $0x90000047  }
0x82: {  	s0 =	sadd.s32 @!p0 $0x100000, s0;
	[bflag:$0x2] =	sbarrier.arrive $0xFFFF  }
0x83: {  	[sflag:s0] =	ssyncadd.tile.s32 @!p0 $0x1;
	_ =	shalt  }
.Lfunc_end2:
_tile_overlayer_lowered:
.L_overlay_start_2:
0x84: {  	(tag) =	ssettag $0x2  }
0x85: {  	s0 =	rddreg [dreg:$0x0];
	s2 =	stileid.u32  }
0x86: {  	s1 =	rddreg [dreg:$0x1];
	p0 =	sne.s32 s2, $0x0  }
0x87: {  	s3 =	rddreg [dreg:$0x2];
	[bflag:$0x3] =	sbarrier.arrive $0xFFFF;
	s2 =	simm.s32 @!p0 $0x1C03  }
0x88: {  	[timem:s3], [sflag:s2] =	dma.local @!p0 [hbm:s0], s1  }
0x89: {  	s0 =	simm.s32 @!p0 $0x3  }
0x8a: {  	_ =	swait.ge @!p0 [sflag:s0], s1  }
0x8b: {  	s1 =	ssub.s32 @!p0 $0x0, s1;
	[sflag:s0] =	ssyncset.done @!p0 $0x0  }
0x8c: {  	[sflag:s0] =	ssyncadd.s32 @!p0 s1  }
0x8d: {  	[bflag:$0x3] =	sbarrier.arrive $0xFFFF  }
0x8e: {  	_ =	shalt  }

// kernel: kernel.9.cloned.1.call-start
scs
__scs_entry_jumppad:
0x0: {  	(pc) =	sbr.rel $0x88, $3  }
0x1: {  	(tag) =	ssettag $0x0;
	lr =	simm.s32 $0x1  }
0x2: {  	[smem:$0x3F99] =	sst lr;
	_ =	strace $0xD0000000  }
0x3: {  	_ = 	snop  }
0x4: {  	_ = 	snop  }
0x5: {  	_ = 	snop  }
0x6: {  	_ = 	snop  }
0x7: {  	_ = 	snop  }
__scs_overlays_trampoline_lowered:
0x8: {  	[smem:$0x3FA8] =	sst s0  }
0x9: {  	[smem:$0x3FA9] =	sst s1  }
0xa: {  	[smem:$0x3FAA] =	sst s2  }
0xb: {  	[smem:$0x3FAB] =	sst s3  }
0xc: {  	[smem:$0x3FAC] =	sst s4  }
0xd: {  	[smem:$0x3FAD] =	sst s5  }
0xe: {  	[smem:$0x3FAE] =	sst s6  }
0xf: {  	[smem:$0x3FAF] =	sst s7  }
0x10: {  	[smem:$0x3FB0] =	sst s8  }
0x11: {  	[smem:$0x3FB1] =	sst s9;
	s0 =	simm.s32 @!p0 $0x0  }
0x12: {  	s1 =	sld [smem:$0x3F97];
	s0 =	simm.s32 @p0 $0x1  }
0x13: {  	[smem:$0x3FB2] =	sst s0;
	s0 =	simm.s32 @!p1 $0x0  }
0x14: {  	s2 =	sld [smem:$0x3F96];
	s0 =	simm.s32 @p1 $0x1  }
0x15: {  	[smem:$0x3FB3] =	sst s0;
	s0 =	simm.s32 @!p2 $0x0  }
0x16: {  	s3 =	sld [smem:$0x3FDB];
	s0 =	simm.s32 @p2 $0x1  }
0x17: {  	s4 =	simm.s32 $0x1BF5;
	[smem:$0x3FB5] =	sst s0  }
0x18: {  	s0 =	sld [smem:$0x3F98];
	_ =	swait.ge [sflag:s4], $0x0  }
0x19: {  	s7 =	sld [smem:$0x3F99]  }
0x1a: {  	s8 =	sadd.s32 $0xFFFFE003, lr  }
0x1b: {  	s9 =	sadd.s32 $0xFFFFFEF7, lr;
	s5 =	simm.s32 $0xFFFFFFFF;
	p2 =	slt.u32 s8, $0xFFFFF086  }
0x1c: {  	p1 =	slt.u32 s9, $0xF7A;
	s5 =	simm.s32 @!p2 $0x0  }
0x1d: {  	s5 =	simm.s32 @p1 $0x1;
	p0 =	seq.s32 s7, s2  }
0x1e: {  	s7 =	smul.u32 @!p0 $0xF7A, s2;
	p2 =	seq.s32 @!p0 s5, $0x0  }
0x1f: {  	s9 =	smul.u32 $0xF7A, s1;
	s8 =	simm.s32 @!p0 $0x1BF5;
	p2 =	por !p2, p0  }
0x20: {  	[sflag:s8] =	ssyncset.s32 @!p0 $0xFFFFF086;
	s6 =	sadd.s32 @!p0 s3, s7;
	s7 =	simm.s32 @!p0 $0x108  }
0x21: {  	s3 =	sadd.s32 s3, s9;
	s6 =	sadd.s32 @!p0 $0x88, s6;
	s7 =	simm.s32 @p2 $0x1082  }
0x22: {  	[simem:s7], [sflag:s8] =	dma.local @!p0 [hbm:s6], $0xF7A  }
0x23: {  	s9 =	sor.u32 $0xD0000000, s2;
	s6 =	simm.s32 $0x108;
	_ =	swait.ge @!p0 [sflag:s8], $0x0  }
0x24: {  	s3 =	sadd.s32 $0x88, s3;
	s6 =	simm.s32 @!p1 $0x1082;
	[sflag:s4] =	ssyncset.s32 $0xFFFFF086  }
0x25: {  	[simem:s6], [sflag:s4] =	dma.local [hbm:s3], $0xF7A  }
0x26: {  	[smem:$0x3F99] =	sst s1;
	(tag) =	ssettag s2;
	_ =	strace s9  }
0x27: {  	s1 =	sld [smem:$0x3FA9]  }
0x28: {  	s2 =	sld [smem:$0x3FAA]  }
0x29: {  	s4 =	sld [smem:$0x3FAC]  }
0x2a: {  	p0 =	seq.s32 s5, $0x0;
	s5 =	sld [smem:$0x3FAD]  }
0x2b: {  	s6 =	sld [smem:$0x3FAE]  }
0x2c: {  	s7 =	sld [smem:$0x3FAF]  }
0x2d: {  	s3 =	simm.s32 $0x108;
	s8 =	sld [smem:$0x3FB0]  }
0x2e: {  	s3 =	simm.s32 @!p0 $0x1082;
	s9 =	sld [smem:$0x3FB1]  }
0x2f: {  	lr =	sadd.s32 s0, s3;
	s0 =	sld [smem:$0x3FA8]  }
0x30: {  	s3 =	sld [smem:$0x3FAB]  }
0x31: {  	[smem:$0x3FB4] =	sst s10  }
0x32: {  	s10 =	sld [smem:$0x3FB2];
	_ =	sdelay $0x3  }
0x33: {  	p0 =	seq.s32 s10, $0x1;
	s10 =	sld [smem:$0x3FB4];
	_ =	sdelay $0x3  }
0x34: {  	[smem:$0x3FB4] =	sst s10  }
0x35: {  	s10 =	sld [smem:$0x3FB3];
	_ =	sdelay $0x3  }
0x36: {  	p1 =	seq.s32 s10, $0x1;
	s10 =	sld [smem:$0x3FB4];
	_ =	sdelay $0x3  }
0x37: {  	[smem:$0x3FB4] =	sst s10  }
0x38: {  	s10 =	sld [smem:$0x3FB5]  }
0x39: {  	_ = 	snop;
	(pc) =	sbr.ind lr, $3  }
0x3a: {  	_ = 	snop  }
0x3b: {  	_ = 	snop  }
0x3c: {  	p2 =	seq.s32 s10, $0x1;
	s10 =	sld [smem:$0x3FB4]  }
0x3d: {  	_ =	shalt  }
0x3e: {  	_ =	shalt  }
0x3f: {  	_ =	shalt  }
0x40: {  	_ =	shalt  }
0x41: {  	_ =	shalt  }
0x42: {  	_ =	shalt  }
0x43: {  	_ =	shalt  }
0x44: {  	_ =	shalt  }
0x45: {  	_ =	shalt  }
0x46: {  	_ =	shalt  }
0x47: {  	_ =	shalt  }
0x48: {  	_ =	shalt  }
0x49: {  	_ =	shalt  }
0x4a: {  	_ =	shalt  }
0x4b: {  	_ =	shalt  }
0x4c: {  	_ =	shalt  }
0x4d: {  	_ =	shalt  }
0x4e: {  	_ =	shalt  }
0x4f: {  	_ =	shalt  }
0x50: {  	_ =	shalt  }
0x51: {  	_ =	shalt  }
0x52: {  	_ =	shalt  }
0x53: {  	_ =	shalt  }
0x54: {  	_ =	shalt  }
0x55: {  	_ =	shalt  }
0x56: {  	_ =	shalt  }
0x57: {  	_ =	shalt  }
0x58: {  	_ =	shalt  }
0x59: {  	_ =	shalt  }
0x5a: {  	_ =	shalt  }
0x5b: {  	_ =	shalt  }
0x5c: {  	_ =	shalt  }
0x5d: {  	_ =	shalt  }
0x5e: {  	_ =	shalt  }
0x5f: {  	_ =	shalt  }
0x60: {  	_ =	shalt  }
0x61: {  	_ =	shalt  }
0x62: {  	_ =	shalt  }
0x63: {  	_ =	shalt  }
0x64: {  	_ =	shalt  }
0x65: {  	_ =	shalt  }
0x66: {  	_ =	shalt  }
0x67: {  	_ =	shalt  }
0x68: {  	_ =	shalt  }
0x69: {  	_ =	shalt  }
0x6a: {  	_ =	shalt  }
0x6b: {  	_ =	shalt  }
0x6c: {  	_ =	shalt  }
0x6d: {  	_ =	shalt  }
0x6e: {  	_ =	shalt  }
0x6f: {  	_ =	shalt  }
0x70: {  	_ =	shalt  }
0x71: {  	_ =	shalt  }
0x72: {  	_ =	shalt  }
0x73: {  	_ =	shalt  }
0x74: {  	_ =	shalt  }
0x75: {  	_ =	shalt  }
0x76: {  	_ =	shalt  }
0x77: {  	_ =	shalt  }
0x78: {  	_ =	shalt  }
0x79: {  	_ =	shalt  }
0x7a: {  	_ =	shalt  }
0x7b: {  	_ =	shalt  }
0x7c: {  	_ =	shalt  }
0x7d: {  	_ =	shalt  }
0x7e: {  	_ =	shalt  }
0x7f: {  	_ =	shalt  }
0x80: {  	_ =	shalt  }
0x81: {  	_ =	shalt  }
0x82: {  	_ =	shalt  }
0x83: {  	_ =	shalt  }
0x84: {  	_ =	shalt  }
0x85: {  	_ =	shalt  }
0x86: {  	_ =	shalt  }
0x87: {  	_ =	shalt  }
.Lfunc_end0:
.L_simem_size_0:
called_computation.1_lowered:
.L_overlay_start_0:
0x88: {  	s2 =	sld [smem:$0x3FD9]  }
0x89: {  	s3 =	sld [smem:$0x3FFE];
	_ =	sdelay $0x1  }
0x8a: {  	s1 =	srdreg.scid  }
0x8b: {  	s0 =	sand.u32 $0x1, s1  }
0x8c: {  	s17 =	sshll.u32 s0, $0xA;
	s2 =	sadd.s32 s3, s2  }
0x8d: {  	s2 =	sadd.s32 s2, s17  }
0x8e: {  	[smem:$0x3FC0] =	sst s2  }
0x8f: {  	_ = 	snop  }
0x90: {  	s2 =	sld [smem:$0x3FD0];
	(tm) =	ssettm $0x1  }
0x91: {  	s18 =	sld [smem:$0x3FFB];
	_ =	sdelay $0x3  }
0x92: {  	_ =	strace s18  }
0x93: {  	s3 =	sld [smem:$0x3FFC];
	_ =	sdelay $0x3  }
0x94: {  	_ =	strace s3  }
0x95: {  	s3 =	sld [smem:$0x3FFD];
	_ =	sdelay $0x3  }
0x96: {  	_ =	strace s3  }
0x97: {  	_ =	strace $0x8FFFFFFF  }
0x98: {  	s19 =	sld [smem:$0x3FDB];
	_ =	sdelay $0x1  }
0x99: {  	s4 =	simm.s32 $_scs_section_size  }
0x9a: {  	s5 =	simm.s32 $_size__tile_overlayer_lowered;
	s6 =	simm.s32 $_tile_overlayer_lowered  }
0x9b: {  	s22 =	simm.s32 $0x1BFF;
	s21 =	sshll.u32 s6, $0x1;
	s3 =	sadd.s32 s4, s19  }
0x9c: {  	s7 =	simm.s32 $0x0;
	s20 =	sshll.u32 s5, $0x1;
	s5 =	sadd.s32 s21, s3  }
0x9d: {  	[timem:s7], [sflag:s22] =	dma.local [hbm:s5], s20  }
0x9e: {  	_ =	swait.ge [sflag:s22], s20  }
0x9f: {  	s4 =	ssub.s32 $0x0, s20;
	[sflag:s22] =	ssyncset.done $0x0  }
0xa0: {  	[sflag:s22] =	ssyncadd.s32 s4;
	_ =	sdelay $0x1  }
0xa1: {  	s23 =	simm.s32 $0x1B8B  }
0xa2: {  	_ =	swait.ge [sflag:s23], $0x1  }
0xa3: {  	[sflag:s23] =	ssyncset.done $0x0  }
0xa4: {  	s25 =	simm.s32 $0x1B8E;
	s24 =	sld [smem:$0x3FFE];
	[sflag:s23] =	ssyncadd.s32 $0xFFFFFFFF  }
0xa5: {  	s26 =	simm.s32 $execute0_lowered;
	[smem:$0x3FD2] =	sst s25  }
0xa6: {  	s5 =	sshll.u32 s26, $0x1;
	_ =	strace $0x80000049;
	[dreg:$0x1] =	wrdreg $0xFFFFFFFF  }
0xa7: {  	s28 =	simm.s32 $_size_execute0_lowered;
	s3 =	sadd.s32 s3, s5;
	[dreg:$0x0] =	wrdreg $0x0  }
0xa8: {  	s5 =	sshll.u32 s28, $0x1;
	[dreg:$0x2] =	wrdreg s3  }
0xa9: {  	[dreg:$0x3] =	wrdreg s5  }
0xaa: {  	[dreg:$0x4] =	wrdreg $0xC0  }
0xab: {  	_ =	task [dreg:s7], $0x5FFFF  }
0xac: {  	[dreg:$0x1] =	wrdreg $0xFFFFFFFF  }
0xad: {  	[dreg:$0x0] =	wrdreg $0x60  }
0xae: {  	[dreg:$0x2] =	wrdreg s24  }
0xaf: {  	[dreg:$0x3] =	wrdreg s2  }
0xb0: {  	[dreg:$0x4] =	wrdreg $0x9  }
0xb1: {  	_ =	task.clear_ibuf [dreg:s7], $0x5FFFF;
	_ =	strace $0x90000049  }
0xb2: {  	s29 =	simm.s32 $0x9;
	_ =	strace $0x8000004B  }
0xb3: {  	_ =	swait.ge [sflag:s29], $0x1  }
0xb4: {  	[sflag:s29] =	ssyncadd.s32 $0xFFFFFFFF  }
0xb5: {  	_ =	strace $0x9000004B  }
0xb6: {  	_ =	sfence  }
0xb7: {  	s30 =	sld [smem:$0x0];
	_ =	sdelay $0x2  }
0xb8: {  	s31 =	sshll.u32 s1, $0xD;
	s1 =	sshrl.u32 s1, $0x2  }
0xb9: {  	s3 =	sand.u32 $0x4000, s31;
	s1 =	sadd.s32 s1, s30  }
0xba: {  	s0 =	sor.u32 s3, s0;
	s1 =	sshll.u32 s1, $0x11  }
0xbb: {  	s0 =	sor.u32 s1, s0  }
0xbc: {  	s0 =	sadd.s32 $0x8F2B, s0  }
0xbd: {  	[sflag:s0] =	ssyncadd.remote.s32 $0x1  }
0xbe: {  	_ =	sfence.sel $0xFFFF  }
0xbf: {  	[dreg:$0x0] =	wrdreg $0xFFFFFFFF;
	(pc) =	sbr.abs _section_cstart, $3  }
0xc0: {  	[dreg:$0x1] =	wrdreg $0xFFFFFFFF  }
0xc1: {  	_ =	task.clear_ibuf [dreg:s7], $0x2FFFF;
	_ =	strace $0x9FFFFFFF  }
0xc2: {  	(tm) =	ssettm $0x7FFFFFFF  }
0xc3: {  	_ =	shalt  }
tec
execute0_lowered:
.L_overlay_start_1:
0x0: {  	(tag) =	ssettag $0x1  }
0x1: {  	s5 =	rddreg [dreg:$0x0]  }
0x2: {  	s2 =	rddreg [dreg:$0x1]  }
0x3: {  	s0 =	rddreg [dreg:$0x2]  }
0x4: {  	s4 =	srdreg.scid;
	s1 =	stileid.u32;
	s3 =	simm.s32 $0x0  }
0x5: {  	s13 =	simm.s32 $0x7530;
	s6 =	sand.u32 $0x1, s4;
	s29 =	sshll.u32 s1, $0x1  }
0x6: {  	s14 =	simm.s32 $0x9C40;
	s15 =	simm.s32 $0xC350;
	s7 =	sor.u32 s6, s29  }
0x7: {  	s16 =	simm.s32 $0x0;
	[smem:$0x7FF] =	sst s3;
	s8 =	smul.u32 $0x4E2, s7  }
0x8: {  	s4 =	sadd.s32 $0x14600, s5;
	s6 =	ssub.s32 $0x2, s6;
	s7 =	smul.u32 $0x2710, s7  }
0x9: {  	s10 =	sadd.s32 $0x14C00, s5;
	_ =	strace $0x8000004A;
	s30 =	sshrl.u32 s6, $0x1  }
0xa: {  	s11 =	ssub.s32 s6, s30;
	s9 =	sadd.s32 s8, s5;
	s12 =	sshrl.u32 s7, $0x3  }
0xb: {  	s7 =	sadd.s32 s10, s8;
	s5 =	sadd.s32 $0xA800, s9;
	s6 =	sadd.s32 $0xA00, s9  }
0xc: {  	s31 =	sadd.s32 s10, s12;
	s9 =	smax.u32 s11, $0x1;
	s10 =	simm.s32 $0x1  }
0xd: {  	v0 =	vimm.f32 $0.0e+00;
	s11 =	simm.s32 $0x2710;
	s12 =	simm.s32 $0x4E20;
	s8 =	sadd.s32 $0x9C40, s31  }
.LBB2_1:
0xe: {  	s17 =	simm.s32 $0x40;
	s18 =	simm.s32 $0x0  }
.LBB2_2:
0xf: {  	p0 =	sne.s32 s17, $0x9C00;
	[tilespmem:s18+$0x9C40] =	vst v0;
	s19 =	smov.u32 s17;
	s17 =	sadd.s32 $0x40, s17  }
.Ltmp0:
0x10: {  	[tilespmem:s18+$0xC350] =	vst v0;
	(pc) =	sbr.rel @p0 .LBB2_2-.Ltmp0, $2  }
0x11: {  	_ =	sdelay $0x2  }
0x12: {  	s18 =	sshra.s32 s19, $0x2  }
0x13: {  	[tilespmem:s18+$0x9C40] =	vst v0  }
0x14: {  	[tilespmem:s18+$0xC350] =	vst v0;
	s17 =	simm.s32 $0x0  }
0x15: {  	[tilespmem:s17], [sflag:$0x1] =	stream.linear.gather [hbm4b:s5+s17], $0x2710, $0x38;
	[tilespmem:$0xEA60] =	vst v63  }
0x16: {  	_ =	swait.ge [sflag:s10], $0x2710  }
0x17: {  	[sflag:s10] =	ssyncset.done $0x0  }
0x18: {  	[sflag:s10] =	ssyncadd.s32 $0xFFFFD8F0  }
0x19: {  	[tilespmem:s11], [sflag:$0x1] =	stream.linear.gather [hbm4b:s6+s17], $0x2710, $0x38;
	[tilespmem:$0xEA60] =	vst v63  }
0x1a: {  	_ =	swait.ge [sflag:s10], $0x2710  }
0x1b: {  	[sflag:s10] =	ssyncset.done $0x0  }
0x1c: {  	[sflag:s10] =	ssyncadd.s32 $0xFFFFD8F0  }
0x1d: {  	[tilespmem:s12], [sflag:$0x1] =	stream.linear.gather [hbm4b:s4+s17], $0x2710, $0x38;
	[tilespmem:$0xEA60] =	vst v63  }
0x1e: {  	_ =	swait.ge [sflag:s10], $0x2710  }
0x1f: {  	[sflag:s10] =	ssyncset.done $0x0  }
0x20: {  	[sflag:s10] =	ssyncadd.s32 $0xFFFFD8F0  }
0x21: {  	[tilespmem:s13], [sflag:$0x1] =	stream.linear.gather [hbm4b:s2+s17], $0x2710, $0x38;
	[tilespmem:$0xEA60] =	vst v63  }
0x22: {  	_ =	swait.ge [sflag:s10], $0x2710  }
0x23: {  	[sflag:s10] =	ssyncset.done $0x0  }
0x24: {  	s18 =	simm.s32 $0x0;
	[sflag:s10] =	ssyncadd.s32 $0xFFFFD8F0  }
0x25: {  	s17 =	simm.s32 $0x40;
	v1 =	vld [tilespmem:s18+$0x0]  }
.LBB2_4:
0x26: {  	p0 =	sne.s32 s17, $0x9C00;
	_ =	sdelay $0x4  }
0x27: {  	v2 =	vld [tilespmem:s18+$0x2710];
	_ =	sdelay $0x1  }
0x28: {  	v3 =	vld.idx.msk [tilespmem:v1+s12+$0x0], $0xffff  }
0x29: {  	v1 =	vld.idx.msk [tilespmem:v1+s13+$0x0], $0xffff;
	_ =	sdelay $0x2  }
.Ltmp1:
0x2a: {  	(pc) =	sbr.rel @p0 .LBB2_4-.Ltmp1, $4  }
0x2b: {  	_ = 	snop  }
0x2c: {  	[tilespmem:v2+s14+$0x0] =	vst.idx.add.f32.msk $0xffff, v3  }
0x2d: {  	s18 =	sshra.s32 s17, $0x2;
	[tilespmem:v2+s15+$0x0] =	vst.idx.add.f32.msk $0xffff, v1  }
0x2e: {  	s17 =	sadd.s32 $0x40, s17;
	v1 =	vld [tilespmem:s18+$0x0]  }
0x2f: {  	_ =	sdelay $0x4  }
0x30: {  	v2 =	vld [tilespmem:s18+$0x2710];
	_ =	sdelay $0x2  }
0x31: {  	v3 =	vld.idx.msk [tilespmem:v1+s12+$0x0], $0xffff  }
0x32: {  	v1 =	vld.idx.msk [tilespmem:v1+s13+$0x0], $0xffff;
	_ =	sdelay $0x3  }
0x33: {  	[tilespmem:v2+s14+$0x0] =	vst.idx.add.f32.msk $0xffff, v3  }
0x34: {  	[tilespmem:v2+s15+$0x0] =	vst.idx.add.f32.msk $0xffff, v1  }
0x35: {  	[hbm4b:s7+s3] =	stream.linear.scatter [tilespmem:s14], [sflag:$0x1], $0x2710, $0x38;
	[tilespmem:$0xEA60] =	vst v63  }
0x36: {  	s16 =	sadd.s32 $0x1, s16;
	_ =	swait.ge [sflag:s10], $0x2710  }
0x37: {  	p0 =	sne.s32 s16, s9;
	[sflag:s10] =	ssyncset.done $0x0  }
.Ltmp2:
0x38: {  	[sflag:s10] =	ssyncadd.s32 $0xFFFFD8F0;
	(pc) =	sbr.rel @p0 .LBB2_1-.Ltmp2, $4  }
0x39: {  	[hbm4b:s8+s3] =	stream.linear.scatter [tilespmem:s15], [sflag:$0x1], $0x2710, $0x38;
	[tilespmem:$0xEA60] =	vst v63  }
0x3a: {  	_ =	swait.ge [sflag:s10], $0x2710  }
0x3b: {  	[sflag:s10] =	ssyncset.done $0x0  }
0x3c: {  	[sflag:s10] =	ssyncadd.s32 $0xFFFFD8F0  }
0x3d: {  	_ =	sfence.sel $0x180000  }
0x3e: {  	[bflag:$0x0] =	sbarrier.arrive $0xFFFF  }
0x3f: {  	p0 =	sne.s32 s1, $0x0;
	_ =	strace $0x9000004A  }
0x40: {  	s0 =	sadd.s32 @!p0 $0x100000, s0;
	[bflag:$0x2] =	sbarrier.arrive $0xFFFF  }
0x41: {  	[sflag:s0] =	ssyncadd.tile.s32 @!p0 $0x1;
	_ =	shalt  }
.Lfunc_end2:
_tile_overlayer_lowered:
.L_overlay_start_2:
0x42: {  	(tag) =	ssettag $0x2  }
0x43: {  	s0 =	rddreg [dreg:$0x0];
	s2 =	stileid.u32  }
0x44: {  	s1 =	rddreg [dreg:$0x1];
	p0 =	sne.s32 s2, $0x0  }
0x45: {  	s3 =	rddreg [dreg:$0x2];
	[bflag:$0x3] =	sbarrier.arrive $0xFFFF;
	s2 =	simm.s32 @!p0 $0x1C01  }
0x46: {  	[timem:s3], [sflag:s2] =	dma.local @!p0 [hbm:s0], s1  }
0x47: {  	s0 =	simm.s32 @!p0 $0x1  }
0x48: {  	_ =	swait.ge @!p0 [sflag:s0], s1  }
0x49: {  	s1 =	ssub.s32 @!p0 $0x0, s1;
	[sflag:s0] =	ssyncset.done @!p0 $0x0  }
0x4a: {  	[sflag:s0] =	ssyncadd.s32 @!p0 s1  }
0x4b: {  	[bflag:$0x3] =	sbarrier.arrive $0xFFFF  }
0x4c: {  	_ =	shalt  }

</sc_bundles>
